<compile_context>
chip_gen: v7x
topology: tpu7x:2x2x1
jax: 0.10.2.dev20260603
libtpu: 0.0.44.dev20260713+nightly
codegen_flags: <defaults>
</compile_context>

<pallas_src>
import functools
import jax
import jax.numpy as jnp
from jax import lax
from jax.experimental import pallas as pl
from jax.experimental.pallas import tpu as pltpu
from jax.experimental.pallas import tpu_sc as plsc

_NC = 2
_NS = 16
_NW = _NC * _NS
_L = 16

_N_LEVELS = 2.0 ** 8 - 1.0
_CH = 32768

_mesh = plsc.VectorSubcoreMesh(core_axis_name="c", subcore_axis_name="s")


def _make_absmax(n):
    w = n // _NW
    nch = w // _CH
    nvec = _CH // _L

    @functools.partial(
        pl.kernel,
        out_type=jax.ShapeDtypeStruct((_NW * _L,), jnp.float32),
        mesh=_mesh,
        scratch_types=[
            pltpu.VMEM((_CH,), jnp.float32),
            pltpu.VMEM((_CH,), jnp.float32),
            pltpu.VMEM((_L,), jnp.float32),
            pltpu.SemaphoreType.DMA,
            pltpu.SemaphoreType.DMA,
        ],
    )
    def absmax_kernel(x_hbm, out_hbm, b0, b1, mx, s0, s1):
        wid = lax.axis_index("s") * _NC + lax.axis_index("c")
        base = wid * w
        bufs = (b0, b1)
        sems = (s0, s1)
        cps = [None, None]
        cps[0] = pltpu.async_copy(x_hbm.at[pl.ds(base, _CH)], b0, s0)
        acc = jnp.zeros((_L,), jnp.float32)
        for j in range(nch):
            k = j % 2
            if j + 1 < nch:
                kn = (j + 1) % 2
                cps[kn] = pltpu.async_copy(
                    x_hbm.at[pl.ds(base + (j + 1) * _CH, _CH)], bufs[kn],
                    sems[kn])
            cps[k].wait()
            b = bufs[k]

            def _absmax_body(i, a, b=b):
                return jnp.maximum(a, jnp.abs(b[pl.ds(i * _L, _L)]))

            acc = plsc.parallel_loop(0, nvec, unroll=8,
                                     carry=acc)(_absmax_body)

        mx[...] = acc
        pltpu.sync_copy(mx, out_hbm.at[pl.ds(wid * _L, _L)])

    return absmax_kernel


def _make_quant(n):
    w = n // _NW
    nch = w // _CH
    nvec = _CH // _L

    @functools.partial(
        pl.kernel,
        out_type=jax.ShapeDtypeStruct((n,), jnp.float32),
        mesh=_mesh,
        scratch_types=[
            pltpu.VMEM((_CH,), jnp.float32),
            pltpu.VMEM((_CH,), jnp.float32),
            pltpu.VMEM((3 * _L,), jnp.float32),
            pltpu.SemaphoreType.DMA,
            pltpu.SemaphoreType.DMA,
            pltpu.SemaphoreType.DMA,
            pltpu.SemaphoreType.DMA,
        ],
    )
    def quant_kernel(x_hbm, p_hbm, out_hbm, b0, b1, pv, g0, g1, t0, t1):
        wid = lax.axis_index("s") * _NC + lax.axis_index("c")
        base = wid * w
        pltpu.sync_copy(p_hbm, pv)
        scale = pv[pl.ds(0, _L)]
        zp = pv[pl.ds(_L, _L)]
        inv = pv[pl.ds(2 * _L, _L)]
        bufs = (b0, b1)
        gsems = (g0, g1)
        tsems = (t0, t1)
        cpg = [None, None]
        cpt = [None, None]
        cpg[0] = pltpu.async_copy(x_hbm.at[pl.ds(base, _CH)], b0, g0)
        for j in range(nch):
            k = j % 2
            cpg[k].wait()
            if j + 1 < nch:
                kn = (j + 1) % 2
                if cpt[kn] is not None:
                    cpt[kn].wait()
                cpg[kn] = pltpu.async_copy(
                    x_hbm.at[pl.ds(base + (j + 1) * _CH, _CH)], bufs[kn],
                    gsems[kn])
            b = bufs[k]

            def _quant_body(i, b=b):
                x = b[pl.ds(i * _L, _L)]
                y = x * scale - zp
                q = (y + 12582912.0) - 12582912.0
                b[pl.ds(i * _L, _L)] = (q + zp) * inv

            plsc.parallel_loop(0, nvec, unroll=8)(_quant_body)

            cpt[k] = pltpu.async_copy(
                bufs[k], out_hbm.at[pl.ds(base + j * _CH, _CH)], tsems[k])
        cpt[0].wait()
        cpt[1].wait()

    return quant_kernel


def kernel(tensor, image_size):
    rows, cols = tensor.shape
    n = rows * cols
    flat = tensor.reshape(n)
    partials = _make_absmax(n)(flat)
    alpha = jnp.max(partials)
    d = jnp.maximum(2.0 * alpha, 1e-8)
    scale = _N_LEVELS / d
    zp = scale * (-alpha)
    inv = d / _N_LEVELS
    params = jnp.concatenate([
        jnp.full((_L,), scale, jnp.float32),
        jnp.full((_L,), zp, jnp.float32),
        jnp.full((_L,), inv, jnp.float32),
    ])
    out = _make_quant(n)(flat, params)
    return out.reshape(rows, cols)

# --- scband reference (transcript-rebuilt; emitter-appended) ---
"""Pipeline reference for scband-quantizer-72121090834967 (READ-ONLY COPY).

The authoritative reference and input builder live on the scoring server;
editing this copy changes nothing except your own understanding.
"""

import jax, jax.numpy as jnp
import numpy as np

BIT = 8
PERCENT = 100.0 / 100.0  # args.percent / 100
IS_SIGNED = True


def setup_inputs(seed: int = 0) -> dict:
    key = jax.random.key(seed)
    k1, _ = jax.random.split(key)
    tensor = jax.random.normal(k1, (128, 32768), dtype=jnp.float32)
    return {"tensor": tensor, "image_size": 224}


def _asymmetric_linear_quantization_params(bit, x_min, x_max):
    # standard asymmetric linear quantization params
    n_levels = 2.0 ** bit - 1.0
    scale = n_levels / jnp.clip(x_max - x_min, 1e-8, None)
    zero_point = scale * x_min
    return scale, zero_point


def reference(tensor, image_size):
    # Quantizer.tensor_forward with mode='squant', is_enable=True, is_input=True:
    #  _init_quant_para (input branch): alpha = percent * |x|.max();
    #  signed input -> x_min = -alpha, x_max = alpha.
    #  _forward: AsymmetricQuantFunction.apply(data, bit, x_min, x_max)
    #  (linear quantize -> round -> clamp -> dequantize, straight-through estimator)
    alpha = PERCENT * jnp.max(jnp.abs(tensor))
    if IS_SIGNED:
        x_min = -alpha
    else:
        x_min = jnp.zeros_like(alpha)
    x_max = alpha
    scale, zero_point = _asymmetric_linear_quantization_params(BIT, x_min, x_max)
    n_levels = 2.0 ** BIT - 1.0
    q = jnp.round(scale * tensor - zero_point)
    q = jnp.clip(q, 0.0, n_levels)
    deq = (q + zero_point) / scale
    # straight-through estimator: forward = deq, backward = identity
    out = tensor + jax.lax.stop_gradient(deq - tensor)
    return out


if False:  # reference __main__ guard neutralized (emitter)
    inp = setup_inputs()
    out = reference(**inp)
    print(out.shape, out.dtype)

if __name__ == "__main__":
    import jax
    _d = setup_inputs()
    print(jax.jit(kernel)(*tuple(_d.values())))

</pallas_src>

<mosaic_0001>
#map = affine_map<(d0, d1) -> (0)>
module attributes {stable_mosaic.version = 14 : i64} {
  func.func @absmax_kernel(%arg0: i32, %arg1: i32, %arg2: memref<4194304xf32, #tpu.memory_space<hbm>>, %arg3: memref<512xf32, #tpu.memory_space<hbm>>, %arg4: memref<32768xf32, #tpu.memory_space<vmem>>, %arg5: memref<32768xf32, #tpu.memory_space<vmem>>, %arg6: memref<16xf32, #tpu.memory_space<vmem>>, %arg7: memref<!tpu.dma_semaphore, #tpu.memory_space<semaphore_mem>>, %arg8: memref<!tpu.dma_semaphore, #tpu.memory_space<semaphore_mem>>) attributes {dimension_semantics = [#tpu.dimension_semantics<core_parallel>, #tpu.dimension_semantics<subcore_parallel>], iteration_bounds = array<i64: 2, 16>, scalar_prefetch = 0 : i64, scratch_operands = 5 : i64, tpu.core_type = #tpu.core_type<sc_vector_subcore>, window_params = [{transform_indices = #map}, {transform_indices = #map}]} {
    %mul3A = arith.constant 2 : i32
    %mul3A_0 = arith.muli %arg1, %mul3A : i32
    %add3A = arith.addi %mul3A_0, %arg0 : i32
    %mul3A_1 = arith.constant 131072 : i32
    %mul3A_2 = arith.muli %add3A, %mul3A_1 : i32
    %dma_start3A = tpu.memref_slice %arg2[%mul3A_2] : memref<4194304xf32, #tpu.memory_space<hbm>> -> memref<32768xf32, #tpu.memory_space<hbm>>
    %dma_start3A_3 = tpu.memref_slice %arg2[%mul3A_2] : memref<4194304xf32, #tpu.memory_space<hbm>> -> memref<32768xf32, #tpu.memory_space<hbm>>
    tpu.enqueue_dma source(%dma_start3A_3 : memref<32768xf32, #tpu.memory_space<hbm>>) target(%arg4 : memref<32768xf32, #tpu.memory_space<vmem>>) target_semaphore(%arg7 : memref<!tpu.dma_semaphore, #tpu.memory_space<semaphore_mem>>)
    %broadcast_in_dim3A = arith.constant 0.000000e+00 : f32
    %broadcast_in_dim3A_4 = vector.broadcast %broadcast_in_dim3A : f32 to vector<16xf32>
    %add3A_5 = arith.constant 32768 : i32
    %add3A_6 = arith.addi %mul3A_2, %add3A_5 : i32
    %dma_start3A_7 = tpu.memref_slice %arg2[%add3A_6] : memref<4194304xf32, #tpu.memory_space<hbm>> -> memref<32768xf32, #tpu.memory_space<hbm>>
    %dma_start3A_8 = tpu.memref_slice %arg2[%add3A_6] : memref<4194304xf32, #tpu.memory_space<hbm>> -> memref<32768xf32, #tpu.memory_space<hbm>>
    tpu.enqueue_dma source(%dma_start3A_8 : memref<32768xf32, #tpu.memory_space<hbm>>) target(%arg5 : memref<32768xf32, #tpu.memory_space<vmem>>) target_semaphore(%arg8 : memref<!tpu.dma_semaphore, #tpu.memory_space<semaphore_mem>>)
    %dma_wait3A = tpu.memref_slice %arg2[%mul3A_2] : memref<4194304xf32, #tpu.memory_space<hbm>> -> memref<32768xf32, #tpu.memory_space<hbm>>
    %dma_wait3A_9 = tpu.memref_slice %arg2[%mul3A_2] : memref<4194304xf32, #tpu.memory_space<hbm>> -> memref<32768xf32, #tpu.memory_space<hbm>>
    tpu.wait_dma2 semaphore(%arg7 : memref<!tpu.dma_semaphore, #tpu.memory_space<semaphore_mem>>) src(%dma_wait3A_9 : memref<32768xf32, #tpu.memory_space<hbm>>) dst(%arg4 : memref<32768xf32, #tpu.memory_space<vmem>>)
    %parallel_loop3A = arith.constant 0 : i32
    %parallel_loop3A_10 = arith.constant 2048 : i32
    %parallel_loop3A_11 = arith.constant 1 : i32
    %parallel_loop3A_12 = scf.for %parallel_loop3A_44 = %parallel_loop3A to %parallel_loop3A_10 step %parallel_loop3A_11 iter_args(%parallel_loop3A_45 = %broadcast_in_dim3A_4) -> (vector<16xf32>)  : i32 {
      %parallel_loop3A_46 = arith.constant 16 : i32
      %parallel_loop3A_47 = arith.muli %parallel_loop3A_44, %parallel_loop3A_46 : i32
      %parallel_loop3A_48 = arith.index_cast %parallel_loop3A_47 : i32 to index
      %parallel_loop3A_49 = tpu.vector_load %arg4[%parallel_loop3A_48] {strides = array<i32>} : memref<32768xf32, #tpu.memory_space<vmem>>, vector<16xf32>,
      %parallel_loop3A_50 = vector.shape_cast %parallel_loop3A_49 : vector<16xf32> to vector<16xf32>
      %parallel_loop3A_51 = math.absf %parallel_loop3A_50 : vector<16xf32>
      %parallel_loop3A_52 = arith.maximumf %parallel_loop3A_45, %parallel_loop3A_51 : vector<16xf32>
      scf.yield %parallel_loop3A_52 : vector<16xf32>
    } {sc.loop_unroll_factor = 8 : i64, sc.parallel_access}
    %add3A_13 = arith.constant 65536 : i32
    %add3A_14 = arith.addi %mul3A_2, %add3A_13 : i32
    %dma_start3A_15 = tpu.memref_slice %arg2[%add3A_14] : memref<4194304xf32, #tpu.memory_space<hbm>> -> memref<32768xf32, #tpu.memory_space<hbm>>
    %dma_start3A_16 = tpu.memref_slice %arg2[%add3A_14] : memref<4194304xf32, #tpu.memory_space<hbm>> -> memref<32768xf32, #tpu.memory_space<hbm>>
    tpu.enqueue_dma source(%dma_start3A_16 : memref<32768xf32, #tpu.memory_space<hbm>>) target(%arg4 : memref<32768xf32, #tpu.memory_space<vmem>>) target_semaphore(%arg7 : memref<!tpu.dma_semaphore, #tpu.memory_space<semaphore_mem>>)
    %dma_wait3A_17 = tpu.memref_slice %arg2[%add3A_6] : memref<4194304xf32, #tpu.memory_space<hbm>> -> memref<32768xf32, #tpu.memory_space<hbm>>
    %dma_wait3A_18 = tpu.memref_slice %arg2[%add3A_6] : memref<4194304xf32, #tpu.memory_space<hbm>> -> memref<32768xf32, #tpu.memory_space<hbm>>
    tpu.wait_dma2 semaphore(%arg8 : memref<!tpu.dma_semaphore, #tpu.memory_space<semaphore_mem>>) src(%dma_wait3A_18 : memref<32768xf32, #tpu.memory_space<hbm>>) dst(%arg5 : memref<32768xf32, #tpu.memory_space<vmem>>)
    %parallel_loop3A_19 = arith.constant 0 : i32
    %parallel_loop3A_20 = arith.constant 2048 : i32
    %parallel_loop3A_21 = arith.constant 1 : i32
    %parallel_loop3A_22 = scf.for %parallel_loop3A_44 = %parallel_loop3A_19 to %parallel_loop3A_20 step %parallel_loop3A_21 iter_args(%parallel_loop3A_45 = %parallel_loop3A_12) -> (vector<16xf32>)  : i32 {
      %parallel_loop3A_46 = arith.constant 16 : i32
      %parallel_loop3A_47 = arith.muli %parallel_loop3A_44, %parallel_loop3A_46 : i32
      %parallel_loop3A_48 = arith.index_cast %parallel_loop3A_47 : i32 to index
      %parallel_loop3A_49 = tpu.vector_load %arg5[%parallel_loop3A_48] {strides = array<i32>} : memref<32768xf32, #tpu.memory_space<vmem>>, vector<16xf32>,
      %parallel_loop3A_50 = vector.shape_cast %parallel_loop3A_49 : vector<16xf32> to vector<16xf32>
      %parallel_loop3A_51 = math.absf %parallel_loop3A_50 : vector<16xf32>
      %parallel_loop3A_52 = arith.maximumf %parallel_loop3A_45, %parallel_loop3A_51 : vector<16xf32>
      scf.yield %parallel_loop3A_52 : vector<16xf32>
    } {sc.loop_unroll_factor = 8 : i64, sc.parallel_access}
    %add3A_23 = arith.constant 98304 : i32
    %add3A_24 = arith.addi %mul3A_2, %add3A_23 : i32
    %dma_start3A_25 = tpu.memref_slice %arg2[%add3A_24] : memref<4194304xf32, #tpu.memory_space<hbm>> -> memref<32768xf32, #tpu.memory_space<hbm>>
    %dma_start3A_26 = tpu.memref_slice %arg2[%add3A_24] : memref<4194304xf32, #tpu.memory_space<hbm>> -> memref<32768xf32, #tpu.memory_space<hbm>>
    tpu.enqueue_dma source(%dma_start3A_26 : memref<32768xf32, #tpu.memory_space<hbm>>) target(%arg5 : memref<32768xf32, #tpu.memory_space<vmem>>) target_semaphore(%arg8 : memref<!tpu.dma_semaphore, #tpu.memory_space<semaphore_mem>>)
    %dma_wait3A_27 = tpu.memref_slice %arg2[%add3A_14] : memref<4194304xf32, #tpu.memory_space<hbm>> -> memref<32768xf32, #tpu.memory_space<hbm>>
    %dma_wait3A_28 = tpu.memref_slice %arg2[%add3A_14] : memref<4194304xf32, #tpu.memory_space<hbm>> -> memref<32768xf32, #tpu.memory_space<hbm>>
    tpu.wait_dma2 semaphore(%arg7 : memref<!tpu.dma_semaphore, #tpu.memory_space<semaphore_mem>>) src(%dma_wait3A_28 : memref<32768xf32, #tpu.memory_space<hbm>>) dst(%arg4 : memref<32768xf32, #tpu.memory_space<vmem>>)
    %parallel_loop3A_29 = arith.constant 0 : i32
    %parallel_loop3A_30 = arith.constant 2048 : i32
    %parallel_loop3A_31 = arith.constant 1 : i32
    %parallel_loop3A_32 = scf.for %parallel_loop3A_44 = %parallel_loop3A_29 to %parallel_loop3A_30 step %parallel_loop3A_31 iter_args(%parallel_loop3A_45 = %parallel_loop3A_22) -> (vector<16xf32>)  : i32 {
      %parallel_loop3A_46 = arith.constant 16 : i32
      %parallel_loop3A_47 = arith.muli %parallel_loop3A_44, %parallel_loop3A_46 : i32
      %parallel_loop3A_48 = arith.index_cast %parallel_loop3A_47 : i32 to index
      %parallel_loop3A_49 = tpu.vector_load %arg4[%parallel_loop3A_48] {strides = array<i32>} : memref<32768xf32, #tpu.memory_space<vmem>>, vector<16xf32>,
      %parallel_loop3A_50 = vector.shape_cast %parallel_loop3A_49 : vector<16xf32> to vector<16xf32>
      %parallel_loop3A_51 = math.absf %parallel_loop3A_50 : vector<16xf32>
      %parallel_loop3A_52 = arith.maximumf %parallel_loop3A_45, %parallel_loop3A_51 : vector<16xf32>
      scf.yield %parallel_loop3A_52 : vector<16xf32>
    } {sc.loop_unroll_factor = 8 : i64, sc.parallel_access}
    %dma_wait3A_33 = tpu.memref_slice %arg2[%add3A_24] : memref<4194304xf32, #tpu.memory_space<hbm>> -> memref<32768xf32, #tpu.memory_space<hbm>>
    %dma_wait3A_34 = tpu.memref_slice %arg2[%add3A_24] : memref<4194304xf32, #tpu.memory_space<hbm>> -> memref<32768xf32, #tpu.memory_space<hbm>>
    tpu.wait_dma2 semaphore(%arg8 : memref<!tpu.dma_semaphore, #tpu.memory_space<semaphore_mem>>) src(%dma_wait3A_34 : memref<32768xf32, #tpu.memory_space<hbm>>) dst(%arg5 : memref<32768xf32, #tpu.memory_space<vmem>>)
    %parallel_loop3A_35 = arith.constant 0 : i32
    %parallel_loop3A_36 = arith.constant 2048 : i32
    %parallel_loop3A_37 = arith.constant 1 : i32
    %parallel_loop3A_38 = scf.for %parallel_loop3A_44 = %parallel_loop3A_35 to %parallel_loop3A_36 step %parallel_loop3A_37 iter_args(%parallel_loop3A_45 = %parallel_loop3A_32) -> (vector<16xf32>)  : i32 {
      %parallel_loop3A_46 = arith.constant 16 : i32
      %parallel_loop3A_47 = arith.muli %parallel_loop3A_44, %parallel_loop3A_46 : i32
      %parallel_loop3A_48 = arith.index_cast %parallel_loop3A_47 : i32 to index
      %parallel_loop3A_49 = tpu.vector_load %arg5[%parallel_loop3A_48] {strides = array<i32>} : memref<32768xf32, #tpu.memory_space<vmem>>, vector<16xf32>,
      %parallel_loop3A_50 = vector.shape_cast %parallel_loop3A_49 : vector<16xf32> to vector<16xf32>
      %parallel_loop3A_51 = math.absf %parallel_loop3A_50 : vector<16xf32>
      %parallel_loop3A_52 = arith.maximumf %parallel_loop3A_45, %parallel_loop3A_51 : vector<16xf32>
      scf.yield %parallel_loop3A_52 : vector<16xf32>
    } {sc.loop_unroll_factor = 8 : i64, sc.parallel_access}
    %swap3A = arith.constant 0 : index
    %swap3A_39 = tpu.vector_load %arg6[%swap3A] {strides = array<i32>} : memref<16xf32, #tpu.memory_space<vmem>>, vector<16xf32>,
    %swap3A_40 = vector.shape_cast %swap3A_39 : vector<16xf32> to vector<16xf32>
    %swap3A_41 = vector.shape_cast %parallel_loop3A_38 : vector<16xf32> to vector<16xf32>
    tpu.vector_store %arg6[%swap3A], %swap3A_41 {strides = array<i32>} : memref<16xf32, #tpu.memory_space<vmem>>, vector<16xf32>,
    %mul3A_42 = arith.constant 16 : i32
    %mul3A_43 = arith.muli %add3A, %mul3A_42 : i32
    "tpu.region"() ({
      %run_scoped3A = tpu.sem_alloc : memref<!tpu.dma_semaphore, #tpu.memory_space<semaphore_mem>>
      %dma_start3A_44 = tpu.memref_slice %arg3[%mul3A_43] : memref<512xf32, #tpu.memory_space<hbm>> -> memref<16xf32, #tpu.memory_space<hbm>>
      %dma_start3A_45 = tpu.memref_slice %arg3[%mul3A_43] : memref<512xf32, #tpu.memory_space<hbm>> -> memref<16xf32, #tpu.memory_space<hbm>>
      tpu.enqueue_dma source(%arg6 : memref<16xf32, #tpu.memory_space<vmem>>) target(%dma_start3A_45 : memref<16xf32, #tpu.memory_space<hbm>>) target_semaphore(%run_scoped3A : memref<!tpu.dma_semaphore, #tpu.memory_space<semaphore_mem>>)
      %dma_wait3A_46 = tpu.memref_slice %arg3[%mul3A_43] : memref<512xf32, #tpu.memory_space<hbm>> -> memref<16xf32, #tpu.memory_space<hbm>>
      %dma_wait3A_47 = tpu.memref_slice %arg3[%mul3A_43] : memref<512xf32, #tpu.memory_space<hbm>> -> memref<16xf32, #tpu.memory_space<hbm>>
      tpu.wait_dma2 semaphore(%run_scoped3A : memref<!tpu.dma_semaphore, #tpu.memory_space<semaphore_mem>>) src(%arg6 : memref<16xf32, #tpu.memory_space<vmem>>) dst(%dma_wait3A_47 : memref<16xf32, #tpu.memory_space<hbm>>)
      tpu.yield
    }) : () -> ()
    return
  }
}

#map = affine_map<(d0, d1) -> (0)>
module attributes {stable_mosaic.version = 14 : i64} {
  func.func @quant_kernel(%arg0: i32, %arg1: i32, %arg2: memref<4194304xf32, #tpu.memory_space<hbm>>, %arg3: memref<48xf32, #tpu.memory_space<hbm>>, %arg4: memref<4194304xf32, #tpu.memory_space<hbm>>, %arg5: memref<32768xf32, #tpu.memory_space<vmem>>, %arg6: memref<32768xf32, #tpu.memory_space<vmem>>, %arg7: memref<48xf32, #tpu.memory_space<vmem>>, %arg8: memref<!tpu.dma_semaphore, #tpu.memory_space<semaphore_mem>>, %arg9: memref<!tpu.dma_semaphore, #tpu.memory_space<semaphore_mem>>, %arg10: memref<!tpu.dma_semaphore, #tpu.memory_space<semaphore_mem>>, %arg11: memref<!tpu.dma_semaphore, #tpu.memory_space<semaphore_mem>>) attributes {dimension_semantics = [#tpu.dimension_semantics<core_parallel>, #tpu.dimension_semantics<subcore_parallel>], iteration_bounds = array<i64: 2, 16>, scalar_prefetch = 0 : i64, scratch_operands = 7 : i64, tpu.core_type = #tpu.core_type<sc_vector_subcore>, window_params = [{transform_indices = #map}, {transform_indices = #map}, {transform_indices = #map}]} {
    %mul3A = arith.constant 2 : i32
    %mul3A_0 = arith.muli %arg1, %mul3A : i32
    %add3A = arith.addi %mul3A_0, %arg0 : i32
    %mul3A_1 = arith.constant 131072 : i32
    %mul3A_2 = arith.muli %add3A, %mul3A_1 : i32
    "tpu.region"() ({
      %run_scoped3A = tpu.sem_alloc : memref<!tpu.dma_semaphore, #tpu.memory_space<semaphore_mem>>
      tpu.enqueue_dma source(%arg3 : memref<48xf32, #tpu.memory_space<hbm>>) target(%arg7 : memref<48xf32, #tpu.memory_space<vmem>>) target_semaphore(%run_scoped3A : memref<!tpu.dma_semaphore, #tpu.memory_space<semaphore_mem>>)
      tpu.wait_dma2 semaphore(%run_scoped3A : memref<!tpu.dma_semaphore, #tpu.memory_space<semaphore_mem>>) src(%arg3 : memref<48xf32, #tpu.memory_space<hbm>>) dst(%arg7 : memref<48xf32, #tpu.memory_space<vmem>>)
      tpu.yield
    }) : () -> ()
    %get3A = arith.constant 0 : index
    %get3A_3 = tpu.vector_load %arg7[%get3A] {strides = array<i32>} : memref<48xf32, #tpu.memory_space<vmem>>, vector<16xf32>,
    %get3A_4 = vector.shape_cast %get3A_3 : vector<16xf32> to vector<16xf32>
    %get3A_5 = arith.constant 16 : index
    %get3A_6 = tpu.vector_load %arg7[%get3A_5] {strides = array<i32>} : memref<48xf32, #tpu.memory_space<vmem>>, vector<16xf32>,
    %get3A_7 = vector.shape_cast %get3A_6 : vector<16xf32> to vector<16xf32>
    %get3A_8 = arith.constant 32 : index
    %get3A_9 = tpu.vector_load %arg7[%get3A_8] {strides = array<i32>} : memref<48xf32, #tpu.memory_space<vmem>>, vector<16xf32>,
    %get3A_10 = vector.shape_cast %get3A_9 : vector<16xf32> to vector<16xf32>
    %dma_start3A = tpu.memref_slice %arg2[%mul3A_2] : memref<4194304xf32, #tpu.memory_space<hbm>> -> memref<32768xf32, #tpu.memory_space<hbm>>
    %dma_start3A_11 = tpu.memref_slice %arg2[%mul3A_2] : memref<4194304xf32, #tpu.memory_space<hbm>> -> memref<32768xf32, #tpu.memory_space<hbm>>
    tpu.enqueue_dma source(%dma_start3A_11 : memref<32768xf32, #tpu.memory_space<hbm>>) target(%arg5 : memref<32768xf32, #tpu.memory_space<vmem>>) target_semaphore(%arg8 : memref<!tpu.dma_semaphore, #tpu.memory_space<semaphore_mem>>)
    %dma_wait3A = tpu.memref_slice %arg2[%mul3A_2] : memref<4194304xf32, #tpu.memory_space<hbm>> -> memref<32768xf32, #tpu.memory_space<hbm>>
    %dma_wait3A_12 = tpu.memref_slice %arg2[%mul3A_2] : memref<4194304xf32, #tpu.memory_space<hbm>> -> memref<32768xf32, #tpu.memory_space<hbm>>
    tpu.wait_dma2 semaphore(%arg8 : memref<!tpu.dma_semaphore, #tpu.memory_space<semaphore_mem>>) src(%dma_wait3A_12 : memref<32768xf32, #tpu.memory_space<hbm>>) dst(%arg5 : memref<32768xf32, #tpu.memory_space<vmem>>)
    %add3A_13 = arith.constant 32768 : i32
    %add3A_14 = arith.addi %mul3A_2, %add3A_13 : i32
    %dma_start3A_15 = tpu.memref_slice %arg2[%add3A_14] : memref<4194304xf32, #tpu.memory_space<hbm>> -> memref<32768xf32, #tpu.memory_space<hbm>>
    %dma_start3A_16 = tpu.memref_slice %arg2[%add3A_14] : memref<4194304xf32, #tpu.memory_space<hbm>> -> memref<32768xf32, #tpu.memory_space<hbm>>
    tpu.enqueue_dma source(%dma_start3A_16 : memref<32768xf32, #tpu.memory_space<hbm>>) target(%arg6 : memref<32768xf32, #tpu.memory_space<vmem>>) target_semaphore(%arg9 : memref<!tpu.dma_semaphore, #tpu.memory_space<semaphore_mem>>)
    %parallel_loop3A = arith.constant 0 : i32
    %parallel_loop3A_17 = arith.constant 2048 : i32
    %parallel_loop3A_18 = arith.constant 1 : i32
    scf.for %parallel_loop3A_66 = %parallel_loop3A to %parallel_loop3A_17 step %parallel_loop3A_18  : i32 {
      %parallel_loop3A_67 = arith.constant 16 : i32
      %parallel_loop3A_68 = arith.muli %parallel_loop3A_66, %parallel_loop3A_67 : i32
      %parallel_loop3A_69 = arith.index_cast %parallel_loop3A_68 : i32 to index
      %parallel_loop3A_70 = tpu.vector_load %arg5[%parallel_loop3A_69] {strides = array<i32>} : memref<32768xf32, #tpu.memory_space<vmem>>, vector<16xf32>,
      %parallel_loop3A_71 = vector.shape_cast %parallel_loop3A_70 : vector<16xf32> to vector<16xf32>
      %parallel_loop3A_72 = arith.mulf %parallel_loop3A_71, %get3A_4 : vector<16xf32>
      %parallel_loop3A_73 = arith.subf %parallel_loop3A_72, %get3A_7 : vector<16xf32>
      %parallel_loop3A_74 = arith.constant 0x4B400000 : f32
      %parallel_loop3A_75 = vector.broadcast %parallel_loop3A_74 : f32 to vector<16xf32>
      %parallel_loop3A_76 = arith.addf %parallel_loop3A_73, %parallel_loop3A_75 : vector<16xf32>
      %parallel_loop3A_77 = arith.constant 0x4B400000 : f32
      %parallel_loop3A_78 = vector.broadcast %parallel_loop3A_77 : f32 to vector<16xf32>
      %parallel_loop3A_79 = arith.subf %parallel_loop3A_76, %parallel_loop3A_78 : vector<16xf32>
      %parallel_loop3A_80 = arith.addf %parallel_loop3A_79, %get3A_7 : vector<16xf32>
      %parallel_loop3A_81 = arith.mulf %parallel_loop3A_80, %get3A_10 : vector<16xf32>
      %parallel_loop3A_82 = arith.constant 16 : i32
      %parallel_loop3A_83 = arith.muli %parallel_loop3A_66, %parallel_loop3A_82 : i32
      %parallel_loop3A_84 = arith.index_cast %parallel_loop3A_83 : i32 to index
      %parallel_loop3A_85 = tpu.vector_load %arg5[%parallel_loop3A_84] {strides = array<i32>} : memref<32768xf32, #tpu.memory_space<vmem>>, vector<16xf32>,
      %parallel_loop3A_86 = vector.shape_cast %parallel_loop3A_85 : vector<16xf32> to vector<16xf32>
      %parallel_loop3A_87 = vector.shape_cast %parallel_loop3A_81 : vector<16xf32> to vector<16xf32>
      tpu.vector_store %arg5[%parallel_loop3A_84], %parallel_loop3A_87 {strides = array<i32>} : memref<32768xf32, #tpu.memory_space<vmem>>, vector<16xf32>,
    } {sc.loop_unroll_factor = 8 : i64, sc.parallel_access}
    %add3A_19 = arith.constant 0 : i32
    %add3A_20 = arith.addi %mul3A_2, %add3A_19 : i32
    %dma_start3A_21 = tpu.memref_slice %arg4[%add3A_20] : memref<4194304xf32, #tpu.memory_space<hbm>> -> memref<32768xf32, #tpu.memory_space<hbm>>
    %dma_start3A_22 = tpu.memref_slice %arg4[%add3A_20] : memref<4194304xf32, #tpu.memory_space<hbm>> -> memref<32768xf32, #tpu.memory_space<hbm>>
    tpu.enqueue_dma source(%arg5 : memref<32768xf32, #tpu.memory_space<vmem>>) target(%dma_start3A_22 : memref<32768xf32, #tpu.memory_space<hbm>>) target_semaphore(%arg10 : memref<!tpu.dma_semaphore, #tpu.memory_space<semaphore_mem>>)
    %dma_wait3A_23 = tpu.memref_slice %arg2[%add3A_14] : memref<4194304xf32, #tpu.memory_space<hbm>> -> memref<32768xf32, #tpu.memory_space<hbm>>
    %dma_wait3A_24 = tpu.memref_slice %arg2[%add3A_14] : memref<4194304xf32, #tpu.memory_space<hbm>> -> memref<32768xf32, #tpu.memory_space<hbm>>
    tpu.wait_dma2 semaphore(%arg9 : memref<!tpu.dma_semaphore, #tpu.memory_space<semaphore_mem>>) src(%dma_wait3A_24 : memref<32768xf32, #tpu.memory_space<hbm>>) dst(%arg6 : memref<32768xf32, #tpu.memory_space<vmem>>)
    %dma_wait3A_25 = tpu.memref_slice %arg4[%add3A_20] : memref<4194304xf32, #tpu.memory_space<hbm>> -> memref<32768xf32, #tpu.memory_space<hbm>>
    %dma_wait3A_26 = tpu.memref_slice %arg4[%add3A_20] : memref<4194304xf32, #tpu.memory_space<hbm>> -> memref<32768xf32, #tpu.memory_space<hbm>>
    tpu.wait_dma2 semaphore(%arg10 : memref<!tpu.dma_semaphore, #tpu.memory_space<semaphore_mem>>) src(%arg5 : memref<32768xf32, #tpu.memory_space<vmem>>) dst(%dma_wait3A_26 : memref<32768xf32, #tpu.memory_space<hbm>>)
    %add3A_27 = arith.constant 65536 : i32
    %add3A_28 = arith.addi %mul3A_2, %add3A_27 : i32
    %dma_start3A_29 = tpu.memref_slice %arg2[%add3A_28] : memref<4194304xf32, #tpu.memory_space<hbm>> -> memref<32768xf32, #tpu.memory_space<hbm>>
    %dma_start3A_30 = tpu.memref_slice %arg2[%add3A_28] : memref<4194304xf32, #tpu.memory_space<hbm>> -> memref<32768xf32, #tpu.memory_space<hbm>>
    tpu.enqueue_dma source(%dma_start3A_30 : memref<32768xf32, #tpu.memory_space<hbm>>) target(%arg5 : memref<32768xf32, #tpu.memory_space<vmem>>) target_semaphore(%arg8 : memref<!tpu.dma_semaphore, #tpu.memory_space<semaphore_mem>>)
    %parallel_loop3A_31 = arith.constant 0 : i32
    %parallel_loop3A_32 = arith.constant 2048 : i32
    %parallel_loop3A_33 = arith.constant 1 : i32
    scf.for %parallel_loop3A_66 = %parallel_loop3A_31 to %parallel_loop3A_32 step %parallel_loop3A_33  : i32 {
      %parallel_loop3A_67 = arith.constant 16 : i32
      %parallel_loop3A_68 = arith.muli %parallel_loop3A_66, %parallel_loop3A_67 : i32
      %parallel_loop3A_69 = arith.index_cast %parallel_loop3A_68 : i32 to index
      %parallel_loop3A_70 = tpu.vector_load %arg6[%parallel_loop3A_69] {strides = array<i32>} : memref<32768xf32, #tpu.memory_space<vmem>>, vector<16xf32>,
      %parallel_loop3A_71 = vector.shape_cast %parallel_loop3A_70 : vector<16xf32> to vector<16xf32>
      %parallel_loop3A_72 = arith.mulf %parallel_loop3A_71, %get3A_4 : vector<16xf32>
      %parallel_loop3A_73 = arith.subf %parallel_loop3A_72, %get3A_7 : vector<16xf32>
      %parallel_loop3A_74 = arith.constant 0x4B400000 : f32
      %parallel_loop3A_75 = vector.broadcast %parallel_loop3A_74 : f32 to vector<16xf32>
      %parallel_loop3A_76 = arith.addf %parallel_loop3A_73, %parallel_loop3A_75 : vector<16xf32>
      %parallel_loop3A_77 = arith.constant 0x4B400000 : f32
      %parallel_loop3A_78 = vector.broadcast %parallel_loop3A_77 : f32 to vector<16xf32>
      %parallel_loop3A_79 = arith.subf %parallel_loop3A_76, %parallel_loop3A_78 : vector<16xf32>
      %parallel_loop3A_80 = arith.addf %parallel_loop3A_79, %get3A_7 : vector<16xf32>
      %parallel_loop3A_81 = arith.mulf %parallel_loop3A_80, %get3A_10 : vector<16xf32>
      %parallel_loop3A_82 = arith.constant 16 : i32
      %parallel_loop3A_83 = arith.muli %parallel_loop3A_66, %parallel_loop3A_82 : i32
      %parallel_loop3A_84 = arith.index_cast %parallel_loop3A_83 : i32 to index
      %parallel_loop3A_85 = tpu.vector_load %arg6[%parallel_loop3A_84] {strides = array<i32>} : memref<32768xf32, #tpu.memory_space<vmem>>, vector<16xf32>,
      %parallel_loop3A_86 = vector.shape_cast %parallel_loop3A_85 : vector<16xf32> to vector<16xf32>
      %parallel_loop3A_87 = vector.shape_cast %parallel_loop3A_81 : vector<16xf32> to vector<16xf32>
      tpu.vector_store %arg6[%parallel_loop3A_84], %parallel_loop3A_87 {strides = array<i32>} : memref<32768xf32, #tpu.memory_space<vmem>>, vector<16xf32>,
    } {sc.loop_unroll_factor = 8 : i64, sc.parallel_access}
    %add3A_34 = arith.constant 32768 : i32
    %add3A_35 = arith.addi %mul3A_2, %add3A_34 : i32
    %dma_start3A_36 = tpu.memref_slice %arg4[%add3A_35] : memref<4194304xf32, #tpu.memory_space<hbm>> -> memref<32768xf32, #tpu.memory_space<hbm>>
    %dma_start3A_37 = tpu.memref_slice %arg4[%add3A_35] : memref<4194304xf32, #tpu.memory_space<hbm>> -> memref<32768xf32, #tpu.memory_space<hbm>>
    tpu.enqueue_dma source(%arg6 : memref<32768xf32, #tpu.memory_space<vmem>>) target(%dma_start3A_37 : memref<32768xf32, #tpu.memory_space<hbm>>) target_semaphore(%arg11 : memref<!tpu.dma_semaphore, #tpu.memory_space<semaphore_mem>>)
    %dma_wait3A_38 = tpu.memref_slice %arg2[%add3A_28] : memref<4194304xf32, #tpu.memory_space<hbm>> -> memref<32768xf32, #tpu.memory_space<hbm>>
    %dma_wait3A_39 = tpu.memref_slice %arg2[%add3A_28] : memref<4194304xf32, #tpu.memory_space<hbm>> -> memref<32768xf32, #tpu.memory_space<hbm>>
    tpu.wait_dma2 semaphore(%arg8 : memref<!tpu.dma_semaphore, #tpu.memory_space<semaphore_mem>>) src(%dma_wait3A_39 : memref<32768xf32, #tpu.memory_space<hbm>>) dst(%arg5 : memref<32768xf32, #tpu.memory_space<vmem>>)
    %dma_wait3A_40 = tpu.memref_slice %arg4[%add3A_35] : memref<4194304xf32, #tpu.memory_space<hbm>> -> memref<32768xf32, #tpu.memory_space<hbm>>
    %dma_wait3A_41 = tpu.memref_slice %arg4[%add3A_35] : memref<4194304xf32, #tpu.memory_space<hbm>> -> memref<32768xf32, #tpu.memory_space<hbm>>
    tpu.wait_dma2 semaphore(%arg11 : memref<!tpu.dma_semaphore, #tpu.memory_space<semaphore_mem>>) src(%arg6 : memref<32768xf32, #tpu.memory_space<vmem>>) dst(%dma_wait3A_41 : memref<32768xf32, #tpu.memory_space<hbm>>)
    %add3A_42 = arith.constant 98304 : i32
    %add3A_43 = arith.addi %mul3A_2, %add3A_42 : i32
    %dma_start3A_44 = tpu.memref_slice %arg2[%add3A_43] : memref<4194304xf32, #tpu.memory_space<hbm>> -> memref<32768xf32, #tpu.memory_space<hbm>>
    %dma_start3A_45 = tpu.memref_slice %arg2[%add3A_43] : memref<4194304xf32, #tpu.memory_space<hbm>> -> memref<32768xf32, #tpu.memory_space<hbm>>
    tpu.enqueue_dma source(%dma_start3A_45 : memref<32768xf32, #tpu.memory_space<hbm>>) target(%arg6 : memref<32768xf32, #tpu.memory_space<vmem>>) target_semaphore(%arg9 : memref<!tpu.dma_semaphore, #tpu.memory_space<semaphore_mem>>)
    %parallel_loop3A_46 = arith.constant 0 : i32
    %parallel_loop3A_47 = arith.constant 2048 : i32
    %parallel_loop3A_48 = arith.constant 1 : i32
    scf.for %parallel_loop3A_66 = %parallel_loop3A_46 to %parallel_loop3A_47 step %parallel_loop3A_48  : i32 {
      %parallel_loop3A_67 = arith.constant 16 : i32
      %parallel_loop3A_68 = arith.muli %parallel_loop3A_66, %parallel_loop3A_67 : i32
      %parallel_loop3A_69 = arith.index_cast %parallel_loop3A_68 : i32 to index
      %parallel_loop3A_70 = tpu.vector_load %arg5[%parallel_loop3A_69] {strides = array<i32>} : memref<32768xf32, #tpu.memory_space<vmem>>, vector<16xf32>,
      %parallel_loop3A_71 = vector.shape_cast %parallel_loop3A_70 : vector<16xf32> to vector<16xf32>
      %parallel_loop3A_72 = arith.mulf %parallel_loop3A_71, %get3A_4 : vector<16xf32>
      %parallel_loop3A_73 = arith.subf %parallel_loop3A_72, %get3A_7 : vector<16xf32>
      %parallel_loop3A_74 = arith.constant 0x4B400000 : f32
      %parallel_loop3A_75 = vector.broadcast %parallel_loop3A_74 : f32 to vector<16xf32>
      %parallel_loop3A_76 = arith.addf %parallel_loop3A_73, %parallel_loop3A_75 : vector<16xf32>
      %parallel_loop3A_77 = arith.constant 0x4B400000 : f32
      %parallel_loop3A_78 = vector.broadcast %parallel_loop3A_77 : f32 to vector<16xf32>
      %parallel_loop3A_79 = arith.subf %parallel_loop3A_76, %parallel_loop3A_78 : vector<16xf32>
      %parallel_loop3A_80 = arith.addf %parallel_loop3A_79, %get3A_7 : vector<16xf32>
      %parallel_loop3A_81 = arith.mulf %parallel_loop3A_80, %get3A_10 : vector<16xf32>
      %parallel_loop3A_82 = arith.constant 16 : i32
      %parallel_loop3A_83 = arith.muli %parallel_loop3A_66, %parallel_loop3A_82 : i32
      %parallel_loop3A_84 = arith.index_cast %parallel_loop3A_83 : i32 to index
      %parallel_loop3A_85 = tpu.vector_load %arg5[%parallel_loop3A_84] {strides = array<i32>} : memref<32768xf32, #tpu.memory_space<vmem>>, vector<16xf32>,
      %parallel_loop3A_86 = vector.shape_cast %parallel_loop3A_85 : vector<16xf32> to vector<16xf32>
      %parallel_loop3A_87 = vector.shape_cast %parallel_loop3A_81 : vector<16xf32> to vector<16xf32>
      tpu.vector_store %arg5[%parallel_loop3A_84], %parallel_loop3A_87 {strides = array<i32>} : memref<32768xf32, #tpu.memory_space<vmem>>, vector<16xf32>,
    } {sc.loop_unroll_factor = 8 : i64, sc.parallel_access}
    %add3A_49 = arith.constant 65536 : i32
    %add3A_50 = arith.addi %mul3A_2, %add3A_49 : i32
    %dma_start3A_51 = tpu.memref_slice %arg4[%add3A_50] : memref<4194304xf32, #tpu.memory_space<hbm>> -> memref<32768xf32, #tpu.memory_space<hbm>>
    %dma_start3A_52 = tpu.memref_slice %arg4[%add3A_50] : memref<4194304xf32, #tpu.memory_space<hbm>> -> memref<32768xf32, #tpu.memory_space<hbm>>
    tpu.enqueue_dma source(%arg5 : memref<32768xf32, #tpu.memory_space<vmem>>) target(%dma_start3A_52 : memref<32768xf32, #tpu.memory_space<hbm>>) target_semaphore(%arg10 : memref<!tpu.dma_semaphore, #tpu.memory_space<semaphore_mem>>)
    %dma_wait3A_53 = tpu.memref_slice %arg2[%add3A_43] : memref<4194304xf32, #tpu.memory_space<hbm>> -> memref<32768xf32, #tpu.memory_space<hbm>>
    %dma_wait3A_54 = tpu.memref_slice %arg2[%add3A_43] : memref<4194304xf32, #tpu.memory_space<hbm>> -> memref<32768xf32, #tpu.memory_space<hbm>>
    tpu.wait_dma2 semaphore(%arg9 : memref<!tpu.dma_semaphore, #tpu.memory_space<semaphore_mem>>) src(%dma_wait3A_54 : memref<32768xf32, #tpu.memory_space<hbm>>) dst(%arg6 : memref<32768xf32, #tpu.memory_space<vmem>>)
    %parallel_loop3A_55 = arith.constant 0 : i32
    %parallel_loop3A_56 = arith.constant 2048 : i32
    %parallel_loop3A_57 = arith.constant 1 : i32
    scf.for %parallel_loop3A_66 = %parallel_loop3A_55 to %parallel_loop3A_56 step %parallel_loop3A_57  : i32 {
      %parallel_loop3A_67 = arith.constant 16 : i32
      %parallel_loop3A_68 = arith.muli %parallel_loop3A_66, %parallel_loop3A_67 : i32
      %parallel_loop3A_69 = arith.index_cast %parallel_loop3A_68 : i32 to index
      %parallel_loop3A_70 = tpu.vector_load %arg6[%parallel_loop3A_69] {strides = array<i32>} : memref<32768xf32, #tpu.memory_space<vmem>>, vector<16xf32>,
      %parallel_loop3A_71 = vector.shape_cast %parallel_loop3A_70 : vector<16xf32> to vector<16xf32>
      %parallel_loop3A_72 = arith.mulf %parallel_loop3A_71, %get3A_4 : vector<16xf32>
      %parallel_loop3A_73 = arith.subf %parallel_loop3A_72, %get3A_7 : vector<16xf32>
      %parallel_loop3A_74 = arith.constant 0x4B400000 : f32
      %parallel_loop3A_75 = vector.broadcast %parallel_loop3A_74 : f32 to vector<16xf32>
      %parallel_loop3A_76 = arith.addf %parallel_loop3A_73, %parallel_loop3A_75 : vector<16xf32>
      %parallel_loop3A_77 = arith.constant 0x4B400000 : f32
      %parallel_loop3A_78 = vector.broadcast %parallel_loop3A_77 : f32 to vector<16xf32>
      %parallel_loop3A_79 = arith.subf %parallel_loop3A_76, %parallel_loop3A_78 : vector<16xf32>
      %parallel_loop3A_80 = arith.addf %parallel_loop3A_79, %get3A_7 : vector<16xf32>
      %parallel_loop3A_81 = arith.mulf %parallel_loop3A_80, %get3A_10 : vector<16xf32>
      %parallel_loop3A_82 = arith.constant 16 : i32
      %parallel_loop3A_83 = arith.muli %parallel_loop3A_66, %parallel_loop3A_82 : i32
      %parallel_loop3A_84 = arith.index_cast %parallel_loop3A_83 : i32 to index
      %parallel_loop3A_85 = tpu.vector_load %arg6[%parallel_loop3A_84] {strides = array<i32>} : memref<32768xf32, #tpu.memory_space<vmem>>, vector<16xf32>,
      %parallel_loop3A_86 = vector.shape_cast %parallel_loop3A_85 : vector<16xf32> to vector<16xf32>
      %parallel_loop3A_87 = vector.shape_cast %parallel_loop3A_81 : vector<16xf32> to vector<16xf32>
      tpu.vector_store %arg6[%parallel_loop3A_84], %parallel_loop3A_87 {strides = array<i32>} : memref<32768xf32, #tpu.memory_space<vmem>>, vector<16xf32>,
    } {sc.loop_unroll_factor = 8 : i64, sc.parallel_access}
    %add3A_58 = arith.constant 98304 : i32
    %add3A_59 = arith.addi %mul3A_2, %add3A_58 : i32
    %dma_start3A_60 = tpu.memref_slice %arg4[%add3A_59] : memref<4194304xf32, #tpu.memory_space<hbm>> -> memref<32768xf32, #tpu.memory_space<hbm>>
    %dma_start3A_61 = tpu.memref_slice %arg4[%add3A_59] : memref<4194304xf32, #tpu.memory_space<hbm>> -> memref<32768xf32, #tpu.memory_space<hbm>>
    tpu.enqueue_dma source(%arg6 : memref<32768xf32, #tpu.memory_space<vmem>>) target(%dma_start3A_61 : memref<32768xf32, #tpu.memory_space<hbm>>) target_semaphore(%arg11 : memref<!tpu.dma_semaphore, #tpu.memory_space<semaphore_mem>>)
    %dma_wait3A_62 = tpu.memref_slice %arg4[%add3A_50] : memref<4194304xf32, #tpu.memory_space<hbm>> -> memref<32768xf32, #tpu.memory_space<hbm>>
    %dma_wait3A_63 = tpu.memref_slice %arg4[%add3A_50] : memref<4194304xf32, #tpu.memory_space<hbm>> -> memref<32768xf32, #tpu.memory_space<hbm>>
    tpu.wait_dma2 semaphore(%arg10 : memref<!tpu.dma_semaphore, #tpu.memory_space<semaphore_mem>>) src(%arg5 : memref<32768xf32, #tpu.memory_space<vmem>>) dst(%dma_wait3A_63 : memref<32768xf32, #tpu.memory_space<hbm>>)
    %dma_wait3A_64 = tpu.memref_slice %arg4[%add3A_59] : memref<4194304xf32, #tpu.memory_space<hbm>> -> memref<32768xf32, #tpu.memory_space<hbm>>
    %dma_wait3A_65 = tpu.memref_slice %arg4[%add3A_59] : memref<4194304xf32, #tpu.memory_space<hbm>> -> memref<32768xf32, #tpu.memory_space<hbm>>
    tpu.wait_dma2 semaphore(%arg11 : memref<!tpu.dma_semaphore, #tpu.memory_space<semaphore_mem>>) src(%arg6 : memref<32768xf32, #tpu.memory_space<vmem>>) dst(%dma_wait3A_65 : memref<32768xf32, #tpu.memory_space<hbm>>)
    return
  }
}

</mosaic_0001>

<sc_bundles>
// kernel: kernel.4.cloned.1.call-start
scs
__scs_entry_jumppad:
0x0: {  	(pc) =	sbr.rel $0x88, $3  }
0x1: {  	(tag) =	ssettag $0x0;
	lr =	simm.s32 $0x1  }
0x2: {  	[smem:$0x3FA0] =	sst lr;
	_ =	strace $0xD0000000  }
0x3: {  	_ = 	snop  }
0x4: {  	_ = 	snop  }
0x5: {  	_ = 	snop  }
0x6: {  	_ = 	snop  }
0x7: {  	_ = 	snop  }
__scs_overlays_trampoline_lowered:
0x8: {  	[smem:$0x3FAF] =	sst s0  }
0x9: {  	[smem:$0x3FB0] =	sst s1  }
0xa: {  	[smem:$0x3FB1] =	sst s2  }
0xb: {  	[smem:$0x3FB2] =	sst s3  }
0xc: {  	[smem:$0x3FB3] =	sst s4  }
0xd: {  	[smem:$0x3FB4] =	sst s5  }
0xe: {  	[smem:$0x3FB5] =	sst s6  }
0xf: {  	[smem:$0x3FB6] =	sst s7  }
0x10: {  	[smem:$0x3FB7] =	sst s8  }
0x11: {  	[smem:$0x3FB8] =	sst s9;
	s0 =	simm.s32 @!p0 $0x0  }
0x12: {  	s1 =	sld [smem:$0x3F9E];
	s0 =	simm.s32 @p0 $0x1  }
0x13: {  	[smem:$0x3FB9] =	sst s0;
	s0 =	simm.s32 @!p1 $0x0  }
0x14: {  	s2 =	sld [smem:$0x3F9D];
	s0 =	simm.s32 @p1 $0x1  }
0x15: {  	[smem:$0x3FBA] =	sst s0;
	s0 =	simm.s32 @!p2 $0x0  }
0x16: {  	s3 =	sld [smem:$0x3FDB];
	s0 =	simm.s32 @p2 $0x1  }
0x17: {  	s4 =	simm.s32 $0x1BF5;
	[smem:$0x3FBC] =	sst s0  }
0x18: {  	s0 =	sld [smem:$0x3F9F];
	_ =	swait.ge [sflag:s4], $0x0  }
0x19: {  	s7 =	sld [smem:$0x3FA0]  }
0x1a: {  	s8 =	sadd.s32 $0xFFFFE003, lr  }
0x1b: {  	s9 =	sadd.s32 $0xFFFFFEF7, lr;
	s5 =	simm.s32 $0xFFFFFFFF;
	p2 =	slt.u32 s8, $0xFFFFF086  }
0x1c: {  	p1 =	slt.u32 s9, $0xF7A;
	s5 =	simm.s32 @!p2 $0x0  }
0x1d: {  	s5 =	simm.s32 @p1 $0x1;
	p0 =	seq.s32 s7, s2  }
0x1e: {  	s7 =	smul.u32 @!p0 $0xF7A, s2;
	p2 =	seq.s32 @!p0 s5, $0x0  }
0x1f: {  	s9 =	smul.u32 $0xF7A, s1;
	s8 =	simm.s32 @!p0 $0x1BF5;
	p2 =	por !p2, p0  }
0x20: {  	[sflag:s8] =	ssyncset.s32 @!p0 $0xFFFFF086;
	s6 =	sadd.s32 @!p0 s3, s7;
	s7 =	simm.s32 @!p0 $0x108  }
0x21: {  	s3 =	sadd.s32 s3, s9;
	s6 =	sadd.s32 @!p0 $0x88, s6;
	s7 =	simm.s32 @p2 $0x1082  }
0x22: {  	[simem:s7], [sflag:s8] =	dma.local @!p0 [hbm:s6], $0xF7A  }
0x23: {  	s9 =	sor.u32 $0xD0000000, s2;
	s6 =	simm.s32 $0x108;
	_ =	swait.ge @!p0 [sflag:s8], $0x0  }
0x24: {  	s3 =	sadd.s32 $0x88, s3;
	s6 =	simm.s32 @!p1 $0x1082;
	[sflag:s4] =	ssyncset.s32 $0xFFFFF086  }
0x25: {  	[simem:s6], [sflag:s4] =	dma.local [hbm:s3], $0xF7A  }
0x26: {  	[smem:$0x3FA0] =	sst s1;
	(tag) =	ssettag s2;
	_ =	strace s9  }
0x27: {  	s1 =	sld [smem:$0x3FB0]  }
0x28: {  	s2 =	sld [smem:$0x3FB1]  }
0x29: {  	s4 =	sld [smem:$0x3FB3]  }
0x2a: {  	p0 =	seq.s32 s5, $0x0;
	s5 =	sld [smem:$0x3FB4]  }
0x2b: {  	s6 =	sld [smem:$0x3FB5]  }
0x2c: {  	s7 =	sld [smem:$0x3FB6]  }
0x2d: {  	s3 =	simm.s32 $0x108;
	s8 =	sld [smem:$0x3FB7]  }
0x2e: {  	s3 =	simm.s32 @!p0 $0x1082;
	s9 =	sld [smem:$0x3FB8]  }
0x2f: {  	lr =	sadd.s32 s0, s3;
	s0 =	sld [smem:$0x3FAF]  }
0x30: {  	s3 =	sld [smem:$0x3FB2]  }
0x31: {  	[smem:$0x3FBB] =	sst s10  }
0x32: {  	s10 =	sld [smem:$0x3FB9];
	_ =	sdelay $0x3  }
0x33: {  	p0 =	seq.s32 s10, $0x1;
	s10 =	sld [smem:$0x3FBB];
	_ =	sdelay $0x3  }
0x34: {  	[smem:$0x3FBB] =	sst s10  }
0x35: {  	s10 =	sld [smem:$0x3FBA];
	_ =	sdelay $0x3  }
0x36: {  	p1 =	seq.s32 s10, $0x1;
	s10 =	sld [smem:$0x3FBB];
	_ =	sdelay $0x3  }
0x37: {  	[smem:$0x3FBB] =	sst s10  }
0x38: {  	s10 =	sld [smem:$0x3FBC]  }
0x39: {  	_ = 	snop;
	(pc) =	sbr.ind lr, $3  }
0x3a: {  	_ = 	snop  }
0x3b: {  	_ = 	snop  }
0x3c: {  	p2 =	seq.s32 s10, $0x1;
	s10 =	sld [smem:$0x3FBB]  }
0x3d: {  	_ =	shalt  }
0x3e: {  	_ =	shalt  }
0x3f: {  	_ =	shalt  }
0x40: {  	_ =	shalt  }
0x41: {  	_ =	shalt  }
0x42: {  	_ =	shalt  }
0x43: {  	_ =	shalt  }
0x44: {  	_ =	shalt  }
0x45: {  	_ =	shalt  }
0x46: {  	_ =	shalt  }
0x47: {  	_ =	shalt  }
0x48: {  	_ =	shalt  }
0x49: {  	_ =	shalt  }
0x4a: {  	_ =	shalt  }
0x4b: {  	_ =	shalt  }
0x4c: {  	_ =	shalt  }
0x4d: {  	_ =	shalt  }
0x4e: {  	_ =	shalt  }
0x4f: {  	_ =	shalt  }
0x50: {  	_ =	shalt  }
0x51: {  	_ =	shalt  }
0x52: {  	_ =	shalt  }
0x53: {  	_ =	shalt  }
0x54: {  	_ =	shalt  }
0x55: {  	_ =	shalt  }
0x56: {  	_ =	shalt  }
0x57: {  	_ =	shalt  }
0x58: {  	_ =	shalt  }
0x59: {  	_ =	shalt  }
0x5a: {  	_ =	shalt  }
0x5b: {  	_ =	shalt  }
0x5c: {  	_ =	shalt  }
0x5d: {  	_ =	shalt  }
0x5e: {  	_ =	shalt  }
0x5f: {  	_ =	shalt  }
0x60: {  	_ =	shalt  }
0x61: {  	_ =	shalt  }
0x62: {  	_ =	shalt  }
0x63: {  	_ =	shalt  }
0x64: {  	_ =	shalt  }
0x65: {  	_ =	shalt  }
0x66: {  	_ =	shalt  }
0x67: {  	_ =	shalt  }
0x68: {  	_ =	shalt  }
0x69: {  	_ =	shalt  }
0x6a: {  	_ =	shalt  }
0x6b: {  	_ =	shalt  }
0x6c: {  	_ =	shalt  }
0x6d: {  	_ =	shalt  }
0x6e: {  	_ =	shalt  }
0x6f: {  	_ =	shalt  }
0x70: {  	_ =	shalt  }
0x71: {  	_ =	shalt  }
0x72: {  	_ =	shalt  }
0x73: {  	_ =	shalt  }
0x74: {  	_ =	shalt  }
0x75: {  	_ =	shalt  }
0x76: {  	_ =	shalt  }
0x77: {  	_ =	shalt  }
0x78: {  	_ =	shalt  }
0x79: {  	_ =	shalt  }
0x7a: {  	_ =	shalt  }
0x7b: {  	_ =	shalt  }
0x7c: {  	_ =	shalt  }
0x7d: {  	_ =	shalt  }
0x7e: {  	_ =	shalt  }
0x7f: {  	_ =	shalt  }
0x80: {  	_ =	shalt  }
0x81: {  	_ =	shalt  }
0x82: {  	_ =	shalt  }
0x83: {  	_ =	shalt  }
0x84: {  	_ =	shalt  }
0x85: {  	_ =	shalt  }
0x86: {  	_ =	shalt  }
0x87: {  	_ =	shalt  }
.Lfunc_end0:
.L_simem_size_0:
called_computation_lowered:
.L_overlay_start_0:
0x88: {  	s2 =	sld [smem:$0x3FD9]  }
0x89: {  	s3 =	sld [smem:$0x3FFE];
	_ =	sdelay $0x1  }
0x8a: {  	s1 =	srdreg.scid  }
0x8b: {  	s0 =	sand.u32 $0x1, s1  }
0x8c: {  	s17 =	sshll.u32 s0, $0xA;
	s2 =	sadd.s32 s3, s2  }
0x8d: {  	s2 =	sadd.s32 s2, s17  }
0x8e: {  	[smem:$0x3FC7] =	sst s2  }
0x8f: {  	_ = 	snop  }
0x90: {  	s2 =	sld [smem:$0x3FD0];
	(tm) =	ssettm $0x1  }
0x91: {  	s18 =	sld [smem:$0x3FFB];
	_ =	sdelay $0x3  }
0x92: {  	_ =	strace s18  }
0x93: {  	s3 =	sld [smem:$0x3FFC];
	_ =	sdelay $0x3  }
0x94: {  	_ =	strace s3  }
0x95: {  	s3 =	sld [smem:$0x3FFD];
	_ =	sdelay $0x3  }
0x96: {  	_ =	strace s3  }
0x97: {  	_ =	strace $0x8FFFFFFF  }
0x98: {  	s19 =	sld [smem:$0x3FDB];
	_ =	sdelay $0x1  }
0x99: {  	s4 =	simm.s32 $_scs_section_size  }
0x9a: {  	s5 =	simm.s32 $_size__tile_overlayer_lowered;
	s6 =	simm.s32 $_tile_overlayer_lowered  }
0x9b: {  	s22 =	simm.s32 $0x1BFF;
	s21 =	sshll.u32 s6, $0x1;
	s3 =	sadd.s32 s4, s19  }
0x9c: {  	s7 =	simm.s32 $0x0;
	s20 =	sshll.u32 s5, $0x1;
	s5 =	sadd.s32 s21, s3  }
0x9d: {  	[timem:s7], [sflag:s22] =	dma.local [hbm:s5], s20  }
0x9e: {  	_ =	swait.ge [sflag:s22], s20  }
0x9f: {  	s4 =	ssub.s32 $0x0, s20;
	[sflag:s22] =	ssyncset.done $0x0  }
0xa0: {  	[sflag:s22] =	ssyncadd.s32 s4;
	_ =	sdelay $0x1  }
0xa1: {  	s23 =	simm.s32 $0x1B8B  }
0xa2: {  	_ =	swait.ge [sflag:s23], $0x1  }
0xa3: {  	[sflag:s23] =	ssyncset.done $0x0  }
0xa4: {  	s25 =	simm.s32 $0x1B8E;
	s24 =	sld [smem:$0x3FFE];
	[sflag:s23] =	ssyncadd.s32 $0xFFFFFFFF  }
0xa5: {  	s26 =	simm.s32 $execute0_lowered;
	[smem:$0x3FD2] =	sst s25  }
0xa6: {  	s5 =	sshll.u32 s26, $0x1;
	_ =	strace $0x80000046;
	[dreg:$0x1] =	wrdreg $0xFFFFFFFF  }
0xa7: {  	s28 =	simm.s32 $_size_execute0_lowered;
	s3 =	sadd.s32 s3, s5;
	[dreg:$0x0] =	wrdreg $0x0  }
0xa8: {  	s5 =	sshll.u32 s28, $0x1;
	[dreg:$0x2] =	wrdreg s3  }
0xa9: {  	[dreg:$0x3] =	wrdreg s5  }
0xaa: {  	[dreg:$0x4] =	wrdreg $0xC0  }
0xab: {  	_ =	task [dreg:s7], $0x5FFFF  }
0xac: {  	[dreg:$0x1] =	wrdreg $0xFFFFFFFF  }
0xad: {  	[dreg:$0x0] =	wrdreg $0x60  }
0xae: {  	[dreg:$0x2] =	wrdreg s2  }
0xaf: {  	[dreg:$0x3] =	wrdreg s24  }
0xb0: {  	[dreg:$0x4] =	wrdreg $0x9  }
0xb1: {  	_ =	task.clear_ibuf [dreg:s7], $0x5FFFF;
	_ =	strace $0x90000046  }
0xb2: {  	s29 =	simm.s32 $0x9;
	_ =	strace $0x80000048  }
0xb3: {  	_ =	swait.ge [sflag:s29], $0x1  }
0xb4: {  	[sflag:s29] =	ssyncadd.s32 $0xFFFFFFFF  }
0xb5: {  	_ =	strace $0x90000048  }
0xb6: {  	_ =	sfence  }
0xb7: {  	s30 =	sld [smem:$0x0];
	_ =	sdelay $0x2  }
0xb8: {  	s31 =	sshll.u32 s1, $0xD;
	s1 =	sshrl.u32 s1, $0x2  }
0xb9: {  	s3 =	sand.u32 $0x4000, s31;
	s1 =	sadd.s32 s1, s30  }
0xba: {  	s0 =	sor.u32 s3, s0;
	s1 =	sshll.u32 s1, $0x11  }
0xbb: {  	s0 =	sor.u32 s1, s0  }
0xbc: {  	s0 =	sadd.s32 $0x8F2B, s0  }
0xbd: {  	[sflag:s0] =	ssyncadd.remote.s32 $0x1  }
0xbe: {  	_ =	sfence.sel $0xFFFF  }
0xbf: {  	[dreg:$0x0] =	wrdreg $0xFFFFFFFF;
	(pc) =	sbr.abs _section_cstart, $3  }
0xc0: {  	[dreg:$0x1] =	wrdreg $0xFFFFFFFF  }
0xc1: {  	_ =	task.clear_ibuf [dreg:s7], $0x2FFFF;
	_ =	strace $0x9FFFFFFF  }
0xc2: {  	(tm) =	ssettm $0x7FFFFFFF  }
0xc3: {  	_ =	shalt  }
tec
execute0_lowered:
.L_overlay_start_1:
0x0: {  	(tag) =	ssettag $0x1  }
0x1: {  	s3 =	rddreg [dreg:$0x0]  }
0x2: {  	s4 =	rddreg [dreg:$0x1]  }
0x3: {  	s0 =	rddreg [dreg:$0x2];
	s2 =	simm.s32 $0x0;
	s5 =	srdreg.scid  }
0x4: {  	s1 =	stileid.u32;
	s9 =	simm.s32 $0x8000;
	s10 =	simm.s32 $0x1  }
0x5: {  	s11 =	simm.s32 $0x2;
	s12 =	simm.s32 $0x10000;
	s13 =	simm.s32 $0x3  }
0x6: {  	[smem:$0x7FF] =	sst s2;
	s5 =	sand.u32 $0x1, s5;
	s6 =	sshll.u32 s1, $0x1  }
0x7: {  	s14 =	simm.s32 $0x0;
	_ =	strace $0x80000047;
	s6 =	sor.u32 s5, s6  }
0x8: {  	s5 =	ssub.s32 $0x2, s5;
	s7 =	sshll.u32 s6, $0x1;
	s6 =	sshll.u32 s6, $0xE  }
0x9: {  	s31 =	sshrl.u32 s5, $0x1;
	s7 =	sadd.s32 s7, s4;
	s3 =	sadd.s32 s3, s6  }
0xa: {  	s8 =	ssub.s32 s5, s31;
	s4 =	sadd.s32 $0x1000, s3;
	s5 =	sadd.s32 $0x2000, s3  }
0xb: {  	s6 =	sadd.s32 $0x3000, s3;
	s7 =	sadd.s32 $0x400, s7;
	s8 =	smax.u32 s8, $0x1  }
.LBB2_1:
0xc: {  	[tilespmem:s2], [sflag:$0x1] =	stream.linear.gather [hbm4b:s3+s2], $0x8000, $0x38;
	[tilespmem:$0x10080] =	vst v63  }
0xd: {  	_ = 	snop  }
0xe: {  	[tilespmem:s9], [sflag:$0x2] =	stream.linear.gather [hbm4b:s4+s2], $0x8000, $0x38;
	[tilespmem:$0x10080] =	vst v63  }
0xf: {  	_ =	swait.ge [sflag:s10], $0x8000  }
0x10: {  	[sflag:s10] =	ssyncset.done $0x0  }
0x11: {  	s16 =	simm.s32 $0x0;
	[sflag:s10] =	ssyncadd.s32 $0xFFFF8000  }
0x12: {  	v0 =	vimm.f32 $0.0e+00;
	s15 =	simm.s32 $0x40;
	v1 =	vld [tilespmem:s16+$0x0]  }
.LBB2_2:
0x13: {  	p0 =	sne.s32 s15, $0x1FFC0  }
.Ltmp0:
0x14: {  	_ = 	snop;
	(pc) =	sbr.rel @p0 .LBB2_2-.Ltmp0, $3  }
0x15: {  	_ =	sdelay $0x1  }
0x16: {  	s16 =	sshra.s32 s15, $0x2;
	s15 =	sadd.s32 $0x40, s15;
	v2 =	vand.u32 $0x7FFFFFFF, v1  }
0x17: {  	v1 =	vld [tilespmem:s16+$0x0];
	v0 =	vmax.f32 v0, v2  }
0x18: {  	s15 =	simm.s32 $0x0  }
0x19: {  	[tilespmem:s15], [sflag:$0x1] =	stream.linear.gather [hbm4b:s5+s15], $0x8000, $0x38;
	[tilespmem:$0x10080] =	vst v63  }
0x1a: {  	_ =	swait.ge [sflag:s11], $0x8000  }
0x1b: {  	[sflag:s11] =	ssyncset.done $0x0  }
0x1c: {  	s16 =	simm.s32 $0x0;
	v1 =	vand.u32 $0x7FFFFFFF, v1;
	[sflag:s11] =	ssyncadd.s32 $0xFFFF8000  }
0x1d: {  	s15 =	simm.s32 $0x40;
	v0 =	vmax.f32 v0, v1;
	v1 =	vld [tilespmem:s16+$0x8000]  }
.LBB2_4:
0x1e: {  	p0 =	sne.s32 s15, $0x1FFC0  }
.Ltmp1:
0x1f: {  	_ = 	snop;
	(pc) =	sbr.rel @p0 .LBB2_4-.Ltmp1, $3  }
0x20: {  	_ =	sdelay $0x1  }
0x21: {  	s16 =	sshra.s32 s15, $0x2;
	s15 =	sadd.s32 $0x40, s15;
	v2 =	vand.u32 $0x7FFFFFFF, v1  }
0x22: {  	v1 =	vld [tilespmem:s16+$0x8000];
	v0 =	vmax.f32 v0, v2  }
0x23: {  	s15 =	simm.s32 $0x0  }
0x24: {  	[tilespmem:s9], [sflag:$0x2] =	stream.linear.gather [hbm4b:s6+s15], $0x8000, $0x38;
	[tilespmem:$0x10080] =	vst v63  }
0x25: {  	_ =	swait.ge [sflag:s10], $0x8000  }
0x26: {  	[sflag:s10] =	ssyncset.done $0x0  }
0x27: {  	s16 =	simm.s32 $0x0;
	v1 =	vand.u32 $0x7FFFFFFF, v1;
	[sflag:s10] =	ssyncadd.s32 $0xFFFF8000  }
0x28: {  	s15 =	simm.s32 $0x40;
	v0 =	vmax.f32 v0, v1;
	v1 =	vld [tilespmem:s16+$0x0]  }
.LBB2_6:
0x29: {  	p0 =	sne.s32 s15, $0x1FFC0  }
.Ltmp2:
0x2a: {  	_ = 	snop;
	(pc) =	sbr.rel @p0 .LBB2_6-.Ltmp2, $3  }
0x2b: {  	_ =	sdelay $0x1  }
0x2c: {  	s16 =	sshra.s32 s15, $0x2;
	s15 =	sadd.s32 $0x40, s15;
	v2 =	vand.u32 $0x7FFFFFFF, v1  }
0x2d: {  	v1 =	vld [tilespmem:s16+$0x0];
	v0 =	vmax.f32 v0, v2  }
0x2e: {  	_ =	sdelay $0x1  }
0x2f: {  	_ =	swait.ge [sflag:s11], $0x8000  }
0x30: {  	[sflag:s11] =	ssyncset.done $0x0  }
0x31: {  	s16 =	simm.s32 $0x0;
	[sflag:s11] =	ssyncadd.s32 $0xFFFF8000;
	v1 =	vand.u32 $0x7FFFFFFF, v1  }
0x32: {  	s15 =	simm.s32 $0x40;
	v0 =	vmax.f32 v0, v1;
	v1 =	vld [tilespmem:s16+$0x8000]  }
.LBB2_8:
0x33: {  	p0 =	sne.s32 s15, $0x1FFC0  }
.Ltmp3:
0x34: {  	_ = 	snop;
	(pc) =	sbr.rel @p0 .LBB2_8-.Ltmp3, $3  }
0x35: {  	_ =	sdelay $0x1  }
0x36: {  	s16 =	sshra.s32 s15, $0x2;
	s15 =	sadd.s32 $0x40, s15;
	v2 =	vand.u32 $0x7FFFFFFF, v1  }
0x37: {  	v1 =	vld [tilespmem:s16+$0x8000];
	v0 =	vmax.f32 v0, v2  }
0x38: {  	_ =	sdelay $0x3  }
0x39: {  	s14 =	sadd.s32 $0x1, s14;
	v1 =	vand.u32 $0x7FFFFFFF, v1  }
0x3a: {  	p0 =	sne.s32 s14, s8;
	v0 =	vmax.f32 v0, v1  }
.Ltmp4:
0x3b: {  	[tilespmem:$0x10000] =	vst v0;
	(pc) =	sbr.rel @p0 .LBB2_1-.Ltmp4, $4  }
0x3c: {  	[hbm4b:s7+s2] =	stream.linear.scatter [tilespmem:s12], [sflag:$0x3], $0x10, $0x38;
	[tilespmem:$0x10080] =	vst v63  }
0x3d: {  	_ =	swait.ge [sflag:s13], $0x10  }
0x3e: {  	[sflag:s13] =	ssyncset.done $0x0  }
0x3f: {  	[sflag:s13] =	ssyncadd.s32 $0xFFFFFFF0  }
0x40: {  	_ =	sfence.sel $0x180000  }
0x41: {  	[bflag:$0x0] =	sbarrier.arrive $0xFFFF  }
0x42: {  	p0 =	sne.s32 s1, $0x0;
	_ =	strace $0x90000047  }
0x43: {  	s0 =	sadd.s32 @!p0 $0x100000, s0;
	[bflag:$0x2] =	sbarrier.arrive $0xFFFF  }
0x44: {  	[sflag:s0] =	ssyncadd.tile.s32 @!p0 $0x1;
	_ =	shalt  }
.Lfunc_end2:
_tile_overlayer_lowered:
.L_overlay_start_2:
0x45: {  	(tag) =	ssettag $0x2  }
0x46: {  	s0 =	rddreg [dreg:$0x0];
	s2 =	stileid.u32  }
0x47: {  	s1 =	rddreg [dreg:$0x1];
	p0 =	sne.s32 s2, $0x0  }
0x48: {  	s3 =	rddreg [dreg:$0x2];
	[bflag:$0x3] =	sbarrier.arrive $0xFFFF;
	s2 =	simm.s32 @!p0 $0x1C03  }
0x49: {  	[timem:s3], [sflag:s2] =	dma.local @!p0 [hbm:s0], s1  }
0x4a: {  	s0 =	simm.s32 @!p0 $0x3  }
0x4b: {  	_ =	swait.ge @!p0 [sflag:s0], s1  }
0x4c: {  	s1 =	ssub.s32 @!p0 $0x0, s1;
	[sflag:s0] =	ssyncset.done @!p0 $0x0  }
0x4d: {  	[sflag:s0] =	ssyncadd.s32 @!p0 s1  }
0x4e: {  	[bflag:$0x3] =	sbarrier.arrive $0xFFFF  }
0x4f: {  	_ =	shalt  }

// kernel: kernel.7.cloned.1.call-start
scs
__scs_entry_jumppad:
0x0: {  	(pc) =	sbr.rel $0x88, $3  }
0x1: {  	(tag) =	ssettag $0x0;
	lr =	simm.s32 $0x1  }
0x2: {  	[smem:$0x3FA0] =	sst lr;
	_ =	strace $0xD0000000  }
0x3: {  	_ = 	snop  }
0x4: {  	_ = 	snop  }
0x5: {  	_ = 	snop  }
0x6: {  	_ = 	snop  }
0x7: {  	_ = 	snop  }
__scs_overlays_trampoline_lowered:
0x8: {  	[smem:$0x3FAF] =	sst s0  }
0x9: {  	[smem:$0x3FB0] =	sst s1  }
0xa: {  	[smem:$0x3FB1] =	sst s2  }
0xb: {  	[smem:$0x3FB2] =	sst s3  }
0xc: {  	[smem:$0x3FB3] =	sst s4  }
0xd: {  	[smem:$0x3FB4] =	sst s5  }
0xe: {  	[smem:$0x3FB5] =	sst s6  }
0xf: {  	[smem:$0x3FB6] =	sst s7  }
0x10: {  	[smem:$0x3FB7] =	sst s8  }
0x11: {  	[smem:$0x3FB8] =	sst s9;
	s0 =	simm.s32 @!p0 $0x0  }
0x12: {  	s1 =	sld [smem:$0x3F9E];
	s0 =	simm.s32 @p0 $0x1  }
0x13: {  	[smem:$0x3FB9] =	sst s0;
	s0 =	simm.s32 @!p1 $0x0  }
0x14: {  	s2 =	sld [smem:$0x3F9D];
	s0 =	simm.s32 @p1 $0x1  }
0x15: {  	[smem:$0x3FBA] =	sst s0;
	s0 =	simm.s32 @!p2 $0x0  }
0x16: {  	s3 =	sld [smem:$0x3FDB];
	s0 =	simm.s32 @p2 $0x1  }
0x17: {  	s4 =	simm.s32 $0x1BF5;
	[smem:$0x3FBC] =	sst s0  }
0x18: {  	s0 =	sld [smem:$0x3F9F];
	_ =	swait.ge [sflag:s4], $0x0  }
0x19: {  	s7 =	sld [smem:$0x3FA0]  }
0x1a: {  	s8 =	sadd.s32 $0xFFFFE003, lr  }
0x1b: {  	s9 =	sadd.s32 $0xFFFFFEF7, lr;
	s5 =	simm.s32 $0xFFFFFFFF;
	p2 =	slt.u32 s8, $0xFFFFF086  }
0x1c: {  	p1 =	slt.u32 s9, $0xF7A;
	s5 =	simm.s32 @!p2 $0x0  }
0x1d: {  	s5 =	simm.s32 @p1 $0x1;
	p0 =	seq.s32 s7, s2  }
0x1e: {  	s7 =	smul.u32 @!p0 $0xF7A, s2;
	p2 =	seq.s32 @!p0 s5, $0x0  }
0x1f: {  	s9 =	smul.u32 $0xF7A, s1;
	s8 =	simm.s32 @!p0 $0x1BF5;
	p2 =	por !p2, p0  }
0x20: {  	[sflag:s8] =	ssyncset.s32 @!p0 $0xFFFFF086;
	s6 =	sadd.s32 @!p0 s3, s7;
	s7 =	simm.s32 @!p0 $0x108  }
0x21: {  	s3 =	sadd.s32 s3, s9;
	s6 =	sadd.s32 @!p0 $0x88, s6;
	s7 =	simm.s32 @p2 $0x1082  }
0x22: {  	[simem:s7], [sflag:s8] =	dma.local @!p0 [hbm:s6], $0xF7A  }
0x23: {  	s9 =	sor.u32 $0xD0000000, s2;
	s6 =	simm.s32 $0x108;
	_ =	swait.ge @!p0 [sflag:s8], $0x0  }
0x24: {  	s3 =	sadd.s32 $0x88, s3;
	s6 =	simm.s32 @!p1 $0x1082;
	[sflag:s4] =	ssyncset.s32 $0xFFFFF086  }
0x25: {  	[simem:s6], [sflag:s4] =	dma.local [hbm:s3], $0xF7A  }
0x26: {  	[smem:$0x3FA0] =	sst s1;
	(tag) =	ssettag s2;
	_ =	strace s9  }
0x27: {  	s1 =	sld [smem:$0x3FB0]  }
0x28: {  	s2 =	sld [smem:$0x3FB1]  }
0x29: {  	s4 =	sld [smem:$0x3FB3]  }
0x2a: {  	p0 =	seq.s32 s5, $0x0;
	s5 =	sld [smem:$0x3FB4]  }
0x2b: {  	s6 =	sld [smem:$0x3FB5]  }
0x2c: {  	s7 =	sld [smem:$0x3FB6]  }
0x2d: {  	s3 =	simm.s32 $0x108;
	s8 =	sld [smem:$0x3FB7]  }
0x2e: {  	s3 =	simm.s32 @!p0 $0x1082;
	s9 =	sld [smem:$0x3FB8]  }
0x2f: {  	lr =	sadd.s32 s0, s3;
	s0 =	sld [smem:$0x3FAF]  }
0x30: {  	s3 =	sld [smem:$0x3FB2]  }
0x31: {  	[smem:$0x3FBB] =	sst s10  }
0x32: {  	s10 =	sld [smem:$0x3FB9];
	_ =	sdelay $0x3  }
0x33: {  	p0 =	seq.s32 s10, $0x1;
	s10 =	sld [smem:$0x3FBB];
	_ =	sdelay $0x3  }
0x34: {  	[smem:$0x3FBB] =	sst s10  }
0x35: {  	s10 =	sld [smem:$0x3FBA];
	_ =	sdelay $0x3  }
0x36: {  	p1 =	seq.s32 s10, $0x1;
	s10 =	sld [smem:$0x3FBB];
	_ =	sdelay $0x3  }
0x37: {  	[smem:$0x3FBB] =	sst s10  }
0x38: {  	s10 =	sld [smem:$0x3FBC]  }
0x39: {  	_ = 	snop;
	(pc) =	sbr.ind lr, $3  }
0x3a: {  	_ = 	snop  }
0x3b: {  	_ = 	snop  }
0x3c: {  	p2 =	seq.s32 s10, $0x1;
	s10 =	sld [smem:$0x3FBB]  }
0x3d: {  	_ =	shalt  }
0x3e: {  	_ =	shalt  }
0x3f: {  	_ =	shalt  }
0x40: {  	_ =	shalt  }
0x41: {  	_ =	shalt  }
0x42: {  	_ =	shalt  }
0x43: {  	_ =	shalt  }
0x44: {  	_ =	shalt  }
0x45: {  	_ =	shalt  }
0x46: {  	_ =	shalt  }
0x47: {  	_ =	shalt  }
0x48: {  	_ =	shalt  }
0x49: {  	_ =	shalt  }
0x4a: {  	_ =	shalt  }
0x4b: {  	_ =	shalt  }
0x4c: {  	_ =	shalt  }
0x4d: {  	_ =	shalt  }
0x4e: {  	_ =	shalt  }
0x4f: {  	_ =	shalt  }
0x50: {  	_ =	shalt  }
0x51: {  	_ =	shalt  }
0x52: {  	_ =	shalt  }
0x53: {  	_ =	shalt  }
0x54: {  	_ =	shalt  }
0x55: {  	_ =	shalt  }
0x56: {  	_ =	shalt  }
0x57: {  	_ =	shalt  }
0x58: {  	_ =	shalt  }
0x59: {  	_ =	shalt  }
0x5a: {  	_ =	shalt  }
0x5b: {  	_ =	shalt  }
0x5c: {  	_ =	shalt  }
0x5d: {  	_ =	shalt  }
0x5e: {  	_ =	shalt  }
0x5f: {  	_ =	shalt  }
0x60: {  	_ =	shalt  }
0x61: {  	_ =	shalt  }
0x62: {  	_ =	shalt  }
0x63: {  	_ =	shalt  }
0x64: {  	_ =	shalt  }
0x65: {  	_ =	shalt  }
0x66: {  	_ =	shalt  }
0x67: {  	_ =	shalt  }
0x68: {  	_ =	shalt  }
0x69: {  	_ =	shalt  }
0x6a: {  	_ =	shalt  }
0x6b: {  	_ =	shalt  }
0x6c: {  	_ =	shalt  }
0x6d: {  	_ =	shalt  }
0x6e: {  	_ =	shalt  }
0x6f: {  	_ =	shalt  }
0x70: {  	_ =	shalt  }
0x71: {  	_ =	shalt  }
0x72: {  	_ =	shalt  }
0x73: {  	_ =	shalt  }
0x74: {  	_ =	shalt  }
0x75: {  	_ =	shalt  }
0x76: {  	_ =	shalt  }
0x77: {  	_ =	shalt  }
0x78: {  	_ =	shalt  }
0x79: {  	_ =	shalt  }
0x7a: {  	_ =	shalt  }
0x7b: {  	_ =	shalt  }
0x7c: {  	_ =	shalt  }
0x7d: {  	_ =	shalt  }
0x7e: {  	_ =	shalt  }
0x7f: {  	_ =	shalt  }
0x80: {  	_ =	shalt  }
0x81: {  	_ =	shalt  }
0x82: {  	_ =	shalt  }
0x83: {  	_ =	shalt  }
0x84: {  	_ =	shalt  }
0x85: {  	_ =	shalt  }
0x86: {  	_ =	shalt  }
0x87: {  	_ =	shalt  }
.Lfunc_end0:
.L_simem_size_0:
called_computation.1_lowered:
.L_overlay_start_0:
0x88: {  	s2 =	sld [smem:$0x3FD9]  }
0x89: {  	s3 =	sld [smem:$0x3FFE];
	_ =	sdelay $0x1  }
0x8a: {  	s1 =	srdreg.scid  }
0x8b: {  	s0 =	sand.u32 $0x1, s1  }
0x8c: {  	s17 =	sshll.u32 s0, $0xA;
	s2 =	sadd.s32 s3, s2  }
0x8d: {  	s2 =	sadd.s32 s2, s17  }
0x8e: {  	[smem:$0x3FC7] =	sst s2  }
0x8f: {  	_ = 	snop  }
0x90: {  	s2 =	sld [smem:$0x3FD0];
	(tm) =	ssettm $0x1  }
0x91: {  	s18 =	sld [smem:$0x3FFB];
	_ =	sdelay $0x3  }
0x92: {  	_ =	strace s18  }
0x93: {  	s3 =	sld [smem:$0x3FFC];
	_ =	sdelay $0x3  }
0x94: {  	_ =	strace s3  }
0x95: {  	s3 =	sld [smem:$0x3FFD];
	_ =	sdelay $0x3  }
0x96: {  	_ =	strace s3  }
0x97: {  	_ =	strace $0x8FFFFFFF  }
0x98: {  	s19 =	sld [smem:$0x3FDB];
	_ =	sdelay $0x1  }
0x99: {  	s4 =	simm.s32 $_scs_section_size  }
0x9a: {  	s5 =	simm.s32 $_size__tile_overlayer_lowered;
	s6 =	simm.s32 $_tile_overlayer_lowered  }
0x9b: {  	s22 =	simm.s32 $0x1BFF;
	s21 =	sshll.u32 s6, $0x1;
	s3 =	sadd.s32 s4, s19  }
0x9c: {  	s7 =	simm.s32 $0x0;
	s20 =	sshll.u32 s5, $0x1;
	s5 =	sadd.s32 s21, s3  }
0x9d: {  	[timem:s7], [sflag:s22] =	dma.local [hbm:s5], s20  }
0x9e: {  	_ =	swait.ge [sflag:s22], s20  }
0x9f: {  	s4 =	ssub.s32 $0x0, s20;
	[sflag:s22] =	ssyncset.done $0x0  }
0xa0: {  	[sflag:s22] =	ssyncadd.s32 s4;
	_ =	sdelay $0x1  }
0xa1: {  	s23 =	simm.s32 $0x1B8B  }
0xa2: {  	_ =	swait.ge [sflag:s23], $0x1  }
0xa3: {  	[sflag:s23] =	ssyncset.done $0x0  }
0xa4: {  	s25 =	simm.s32 $0x1B8E;
	s24 =	sld [smem:$0x3FFE];
	[sflag:s23] =	ssyncadd.s32 $0xFFFFFFFF  }
0xa5: {  	s26 =	simm.s32 $execute0_lowered;
	[smem:$0x3FD2] =	sst s25  }
0xa6: {  	s5 =	sshll.u32 s26, $0x1;
	_ =	strace $0x80000049;
	[dreg:$0x1] =	wrdreg $0xFFFFFFFF  }
0xa7: {  	s28 =	simm.s32 $_size_execute0_lowered;
	s3 =	sadd.s32 s3, s5;
	[dreg:$0x0] =	wrdreg $0x0  }
0xa8: {  	s5 =	sshll.u32 s28, $0x1;
	[dreg:$0x2] =	wrdreg s3  }
0xa9: {  	[dreg:$0x3] =	wrdreg s5  }
0xaa: {  	[dreg:$0x4] =	wrdreg $0xC0  }
0xab: {  	_ =	task [dreg:s7], $0x5FFFF  }
0xac: {  	[dreg:$0x1] =	wrdreg $0xFFFFFFFF  }
0xad: {  	[dreg:$0x0] =	wrdreg $0x60  }
0xae: {  	[dreg:$0x2] =	wrdreg s2  }
0xaf: {  	[dreg:$0x3] =	wrdreg s24  }
0xb0: {  	[dreg:$0x4] =	wrdreg $0x9  }
0xb1: {  	_ =	task.clear_ibuf [dreg:s7], $0x5FFFF;
	_ =	strace $0x90000049  }
0xb2: {  	s29 =	simm.s32 $0x9;
	_ =	strace $0x8000004B  }
0xb3: {  	_ =	swait.ge [sflag:s29], $0x1  }
0xb4: {  	[sflag:s29] =	ssyncadd.s32 $0xFFFFFFFF  }
0xb5: {  	_ =	strace $0x9000004B  }
0xb6: {  	_ =	sfence  }
0xb7: {  	s30 =	sld [smem:$0x0];
	_ =	sdelay $0x2  }
0xb8: {  	s31 =	sshll.u32 s1, $0xD;
	s1 =	sshrl.u32 s1, $0x2  }
0xb9: {  	s3 =	sand.u32 $0x4000, s31;
	s1 =	sadd.s32 s1, s30  }
0xba: {  	s0 =	sor.u32 s3, s0;
	s1 =	sshll.u32 s1, $0x11  }
0xbb: {  	s0 =	sor.u32 s1, s0  }
0xbc: {  	s0 =	sadd.s32 $0x8F2B, s0  }
0xbd: {  	[sflag:s0] =	ssyncadd.remote.s32 $0x1  }
0xbe: {  	_ =	sfence.sel $0xFFFF  }
0xbf: {  	[dreg:$0x0] =	wrdreg $0xFFFFFFFF;
	(pc) =	sbr.abs _section_cstart, $3  }
0xc0: {  	[dreg:$0x1] =	wrdreg $0xFFFFFFFF  }
0xc1: {  	_ =	task.clear_ibuf [dreg:s7], $0x2FFFF;
	_ =	strace $0x9FFFFFFF  }
0xc2: {  	(tm) =	ssettm $0x7FFFFFFF  }
0xc3: {  	_ =	shalt  }
tec
execute0_lowered:
.L_overlay_start_1:
0x0: {  	(tag) =	ssettag $0x1  }
0x1: {  	s9 =	rddreg [dreg:$0x0]  }
0x2: {  	s4 =	rddreg [dreg:$0x1]  }
0x3: {  	s0 =	rddreg [dreg:$0x2];
	s1 =	simm.s32 $0x0  }
0x4: {  	s5 =	srdreg.scid;
	s2 =	stileid.u32;
	s15 =	simm.s32 $0x1  }
0x5: {  	s16 =	simm.s32 $0x8000;
	s17 =	simm.s32 $0x2;
	s18 =	simm.s32 $0x3  }
0x6: {  	s19 =	simm.s32 $0x4;
	s20 =	simm.s32 $0x0;
	[smem:$0x7FF] =	sst s1  }
0x7: {  	s3 =	sadd.s32 $0x400, s4;
	s5 =	sand.u32 $0x1, s5;
	s7 =	sshll.u32 s2, $0xF  }
0x8: {  	s11 =	sadd.s32 $0x600, s4;
	s6 =	ssub.s32 $0x2, s5;
	s5 =	sshll.u32 s5, $0xE  }
0x9: {  	_ =	strace $0x8000004A;
	s31 =	sshrl.u32 s6, $0x1;
	s10 =	sor.u32 s5, s7  }
0xa: {  	s12 =	ssub.s32 s6, s31;
	s4 =	sadd.s32 s9, s10;
	s8 =	sor.u32 $0x1000, s10  }
0xb: {  	s6 =	sadd.s32 s11, s10;
	s13 =	sor.u32 $0x2000, s10;
	s14 =	sor.u32 $0x3000, s10  }
0xc: {  	s5 =	sadd.s32 s9, s8;
	s7 =	sadd.s32 s9, s13;
	s8 =	sadd.s32 s11, s8  }
0xd: {  	s9 =	sadd.s32 s9, s14;
	s10 =	sadd.s32 s11, s13;
	s11 =	sadd.s32 s11, s14  }
0xe: {  	s12 =	smax.u32 s12, $0x1;
	s13 =	simm.s32 $0x10000;
	s14 =	simm.s32 $0x5  }
.LBB2_1:
0xf: {  	[tilespmem:s13], [sflag:$0x5] =	stream.linear.gather [hbm4b:s3+s1], $0x80, $0x38;
	[tilespmem:$0x10080] =	vst v63  }
0x10: {  	_ =	swait.ge [sflag:s14], $0x80  }
0x11: {  	[sflag:s14] =	ssyncset.done $0x0  }
0x12: {  	[sflag:s14] =	ssyncadd.s32 $0xFFFFFF80  }
0x13: {  	v2 =	vld [tilespmem:$0x10000]  }
0x14: {  	v1 =	vld [tilespmem:$0x10010]  }
0x15: {  	v0 =	vld [tilespmem:$0x10020];
	[tilespmem:s1], [sflag:$0x1] =	stream.linear.gather [hbm4b:s4+s1], $0x8000, $0x38  }
0x16: {  	_ =	swait.ge [sflag:s15], $0x8000  }
0x17: {  	[sflag:s15] =	ssyncset.done $0x0  }
0x18: {  	s21 =	simm.s32 $0x40;
	[sflag:s15] =	ssyncadd.s32 $0xFFFF8000  }
0x19: {  	[tilespmem:s16], [sflag:$0x2] =	stream.linear.gather [hbm4b:s5+s1], $0x8000, $0x38;
	[tilespmem:$0x10080] =	vst v63  }
0x1a: {  	v3 =	vld [tilespmem:s21+$0x30]  }
0x1b: {  	v4 =	vld [tilespmem:s21+$0xFFFFFFD0]  }
0x1c: {  	v5 =	vld [tilespmem:s21+$0xFFFFFFE0]  }
0x1d: {  	v6 =	vld [tilespmem:s21+$0xFFFFFFF0]  }
0x1e: {  	v7 =	vld [tilespmem:s21+$0x0]  }
0x1f: {  	v8 =	vld [tilespmem:s21+$0x10]  }
0x20: {  	v9 =	vld [tilespmem:s21+$0x20]  }
0x21: {  	s22 =	simm.s32 $0xC0;
	v10 =	vld [tilespmem:s21+$0xFFFFFFC0]  }
0x22: {  	v11 =	vld [tilespmem:s22+$0x30];
	v3 =	vmul.f32 v3, v2  }
0x23: {  	v4 =	vmul.f32 v4, v2;
	v5 =	vmul.f32 v5, v2  }
0x24: {  	v6 =	vmul.f32 v6, v2;
	v7 =	vmul.f32 v7, v2  }
0x25: {  	v8 =	vmul.f32 v8, v2;
	v9 =	vmul.f32 v9, v2;
	v3 =	vsub.f32 v3, v1  }
0x26: {  	v10 =	vmul.f32 v10, v2;
	v4 =	vsub.f32 v4, v1;
	v5 =	vsub.f32 v5, v1  }
0x27: {  	v11 =	vmul.f32 v11, v2;
	v6 =	vsub.f32 v6, v1;
	v7 =	vsub.f32 v7, v1  }
0x28: {  	v8 =	vsub.f32 v8, v1;
	v9 =	vsub.f32 v9, v1  }
0x29: {  	v10 =	vsub.f32 v10, v1;
	v11 =	vsub.f32 v11, v1  }
0x2a: {  	v3 =	vadd.f32 $1.258291200e+07, v3;
	v4 =	vadd.f32 $1.258291200e+07, v4  }
0x2b: {  	v5 =	vadd.f32 $1.258291200e+07, v5;
	v6 =	vadd.f32 $1.258291200e+07, v6  }
0x2c: {  	v7 =	vadd.f32 $1.258291200e+07, v7;
	v8 =	vadd.f32 $1.258291200e+07, v8  }
0x2d: {  	v10 =	vadd.f32 $1.258291200e+07, v10;
	v9 =	vadd.f32 $1.258291200e+07, v9  }
0x2e: {  	v13 =	vld [tilespmem:s22+$0xFFFFFFE0];
	v11 =	vadd.f32 $1.258291200e+07, v11;
	v3 =	vadd.f32 $-1.258291200e+07, v3  }
0x2f: {  	v12 =	vld [tilespmem:s22+$0xFFFFFFD0];
	v4 =	vadd.f32 $-1.258291200e+07, v4;
	v5 =	vadd.f32 $-1.258291200e+07, v5  }
0x30: {  	v10 =	vadd.f32 $-1.258291200e+07, v10;
	v6 =	vadd.f32 $-1.258291200e+07, v6  }
0x31: {  	v14 =	vld [tilespmem:s22+$0xFFFFFFF0];
	v15 =	vadd.f32 $-1.258291200e+07, v7;
	v8 =	vadd.f32 $-1.258291200e+07, v8  }
0x32: {  	v17 =	vld [tilespmem:s22+$0x0];
	v9 =	vadd.f32 $-1.258291200e+07, v9;
	v11 =	vadd.f32 $-1.258291200e+07, v11  }
0x33: {  	v13 =	vmul.f32 v13, v2;
	v3 =	vadd.f32 v3, v1;
	v18 =	vadd.f32 v10, v1;
	v10 =	vld [tilespmem:s22+$0x10]  }
0x34: {  	v19 =	vadd.f32 v4, v1;
	v7 =	vadd.f32 v5, v1;
	v4 =	vmul.f32 v12, v2;
	v12 =	vld [tilespmem:s22+$0x20]  }
0x35: {  	v6 =	vadd.f32 v6, v1;
	v16 =	vmul.f32 v3, v0;
	v3 =	vadd.f32 v15, v1;
	v15 =	vld [tilespmem:s22+$0xFFFFFFC0]  }
0x36: {  	v14 =	vmul.f32 v14, v2;
	v5 =	vadd.f32 v8, v1;
	v8 =	vsub.f32 v4, v1  }
0x37: {  	v4 =	vadd.f32 v9, v1;
	v9 =	vsub.f32 v13, v1;
	v13 =	vmul.f32 v17, v2  }
0x38: {  	v21 =	vadd.f32 v11, v1;
	v17 =	vsub.f32 v14, v1  }
0x39: {  	v8 =	vadd.f32 $1.258291200e+07, v8;
	v20 =	vsub.f32 v13, v1;
	v14 =	vmul.f32 v10, v2  }
0x3a: {  	v12 =	vmul.f32 v12, v2;
	v10 =	vadd.f32 $1.258291200e+07, v9;
	v15 =	vmul.f32 v15, v2  }
0x3b: {  	v18 =	vmul.f32 v18, v0;
	v11 =	vadd.f32 $1.258291200e+07, v20;
	v9 =	vsub.f32 v14, v1  }
0x3c: {  	[tilespmem:s21+$0x30] =	vst v16;
	v16 =	vmul.f32 v19, v0;
	v13 =	vsub.f32 v12, v1;
	v14 =	vsub.f32 v15, v1  }
0x3d: {  	s23 =	simm.s32 $0x8;
	s24 =	simm.s32 $0x140;
	[tilespmem:s21+$0xFFFFFFC0] =	vst v18;
	v12 =	vadd.f32 $1.258291200e+07, v17;
	v9 =	vadd.f32 $1.258291200e+07, v9;
	v15 =	vmul.f32 v21, v0  }
.LBB2_2:
0x3e: {  	v17 =	vld [tilespmem:s24+$0x30];
	s23 =	sadd.s32 $0x8, s23;
	v14 =	vadd.f32 $1.258291200e+07, v14;
	v13 =	vadd.f32 $1.258291200e+07, v13;
	[tilespmem:s21+$0xFFFFFFD0] =	vst v16;
	v7 =	vmul.f32 v7, v0  }
0x3f: {  	v8 =	vadd.f32 $-1.258291200e+07, v8;
	v10 =	vadd.f32 $-1.258291200e+07, v10;
	v6 =	vmul.f32 v6, v0;
	v16 =	vld [tilespmem:s24+$0xFFFFFFD0];
	p0 =	slt.u32 s23, $0x7F8;
	[tilespmem:s22+$0x30] =	vst v15  }
0x40: {  	v12 =	vadd.f32 $-1.258291200e+07, v12;
	v3 =	vmul.f32 v3, v0;
	v15 =	vld [tilespmem:s24+$0xFFFFFFE0];
	v14 =	vadd.f32 $-1.258291200e+07, v14;
	[tilespmem:s21+$0xFFFFFFE0] =	vst v7  }
0x41: {  	v5 =	vmul.f32 v5, v0;
	v11 =	vadd.f32 $-1.258291200e+07, v11;
	v9 =	vadd.f32 $-1.258291200e+07, v9;
	v18 =	vld [tilespmem:s24+$0xFFFFFFF0];
	[tilespmem:s21+$0xFFFFFFF0] =	vst v6  }
0x42: {  	v4 =	vmul.f32 v4, v0;
	v13 =	vadd.f32 $-1.258291200e+07, v13;
	v19 =	vld [tilespmem:s24+$0x0];
	v14 =	vadd.f32 v14, v1;
	[tilespmem:s21+$0x0] =	vst v3  }
0x43: {  	v21 =	vadd.f32 v8, v1;
	v7 =	vadd.f32 v10, v1;
	v20 =	vld [tilespmem:s24+$0x10];
	v17 =	vmul.f32 v17, v2;
	[tilespmem:s21+$0x10] =	vst v5  }
0x44: {  	v6 =	vadd.f32 v12, v1;
	v3 =	vadd.f32 v11, v1;
	v8 =	vmul.f32 v16, v2;
	v10 =	vld [tilespmem:s24+$0x20];
	[tilespmem:s21+$0x20] =	vst v4;
	s21 =	smov.u32 s22;
	s22 =	smov.u32 s24  }
0x45: {  	v5 =	vadd.f32 v9, v1;
	v11 =	vld [tilespmem:s24+$0xFFFFFFC0];
	v12 =	vmul.f32 v15, v2;
	v15 =	vsub.f32 v17, v1  }
0x46: {  	v4 =	vadd.f32 v13, v1;
	v8 =	vsub.f32 v8, v1;
	v9 =	vmul.f32 v18, v2  }
0x47: {  	v12 =	vsub.f32 v12, v1;
	v13 =	vmul.f32 v19, v2;
	v15 =	vadd.f32 $1.258291200e+07, v15  }
0x48: {  	v8 =	vadd.f32 $1.258291200e+07, v8;
	v9 =	vsub.f32 v9, v1;
	v16 =	vmul.f32 v20, v2  }
.Ltmp0:
0x49: {  	v17 =	vsub.f32 v13, v1;
	v13 =	vmul.f32 v10, v2;
	v15 =	vadd.f32 $-1.258291200e+07, v15;
	(pc) =	sbr.rel @p0 .LBB2_2-.Ltmp0, $4  }
0x4a: {  	v10 =	vadd.f32 $1.258291200e+07, v12;
	v11 =	vmul.f32 v11, v2;
	v18 =	vsub.f32 v16, v1  }
0x4b: {  	v19 =	vmul.f32 v14, v0;
	v13 =	vsub.f32 v13, v1;
	v15 =	vadd.f32 v15, v1  }
0x4c: {  	v12 =	vadd.f32 $1.258291200e+07, v9;
	v16 =	vmul.f32 v21, v0;
	v14 =	vsub.f32 v11, v1  }
0x4d: {  	s24 =	sadd.s32 $0x80, s24;
	v11 =	vadd.f32 $1.258291200e+07, v17;
	v9 =	vadd.f32 $1.258291200e+07, v18;
	v15 =	vmul.f32 v15, v0;
	[tilespmem:s21+$0xFFFFFFC0] =	vst v19  }
0x4e: {  	v14 =	vadd.f32 $1.258291200e+07, v14;
	v7 =	vmul.f32 v7, v0  }
0x4f: {  	[tilespmem:s21+$0xFFFFFFD0] =	vst v16;
	v6 =	vmul.f32 v6, v0;
	v13 =	vadd.f32 $1.258291200e+07, v13  }
0x50: {  	v8 =	vadd.f32 $-1.258291200e+07, v8;
	v3 =	vmul.f32 v3, v0;
	v14 =	vadd.f32 $-1.258291200e+07, v14;
	[tilespmem:s21+$0xFFFFFFE0] =	vst v7  }
0x51: {  	v5 =	vmul.f32 v5, v0;
	v7 =	vadd.f32 $-1.258291200e+07, v10;
	[tilespmem:s21+$0xFFFFFFF0] =	vst v6;
	v10 =	vadd.f32 $-1.258291200e+07, v12  }
0x52: {  	[tilespmem:s21+$0x0] =	vst v3;
	v3 =	vmul.f32 v4, v0;
	v4 =	vadd.f32 v8, v1;
	v6 =	vadd.f32 v14, v1  }
0x53: {  	v8 =	vadd.f32 $-1.258291200e+07, v11;
	[tilespmem:s21+$0x10] =	vst v5;
	v7 =	vadd.f32 v7, v1  }
0x54: {  	[tilespmem:s21+$0x20] =	vst v3;
	v3 =	vmul.f32 v4, v0;
	v4 =	vadd.f32 $-1.258291200e+07, v13;
	v5 =	vmul.f32 v6, v0  }
0x55: {  	[tilespmem:s22+$0x30] =	vst v15;
	v6 =	vadd.f32 $-1.258291200e+07, v9;
	v9 =	vadd.f32 v10, v1  }
0x56: {  	v4 =	vadd.f32 v4, v1;
	[tilespmem:s22+$0xFFFFFFC0] =	vst v5;
	v5 =	vmul.f32 v7, v0  }
0x57: {  	v8 =	vadd.f32 v8, v1;
	[tilespmem:s22+$0xFFFFFFD0] =	vst v3;
	v3 =	vmul.f32 v9, v0  }
0x58: {  	v6 =	vadd.f32 v6, v1;
	v4 =	vmul.f32 v4, v0;
	[tilespmem:s22+$0xFFFFFFE0] =	vst v5  }
0x59: {  	v5 =	vmul.f32 v8, v0;
	[tilespmem:s22+$0xFFFFFFF0] =	vst v3  }
0x5a: {  	v3 =	vmul.f32 v6, v0;
	[tilespmem:s22+$0x20] =	vst v4  }
0x5b: {  	[tilespmem:s22+$0x0] =	vst v5  }
0x5c: {  	[tilespmem:s22+$0x10] =	vst v3  }
0x5d: {  	[hbm4b:s6+s1] =	stream.linear.scatter [tilespmem:s1], [sflag:$0x3], $0x8000, $0x38;
	[tilespmem:$0x10080] =	vst v63  }
0x5e: {  	_ =	swait.ge [sflag:s17], $0x8000  }
0x5f: {  	[sflag:s17] =	ssyncset.done $0x0  }
0x60: {  	[sflag:s17] =	ssyncadd.s32 $0xFFFF8000  }
0x61: {  	_ =	swait.ge [sflag:s18], $0x8000  }
0x62: {  	[sflag:s18] =	ssyncset.done $0x0  }
0x63: {  	s21 =	simm.s32 $0x8040;
	[sflag:s18] =	ssyncadd.s32 $0xFFFF8000  }
0x64: {  	[tilespmem:s1], [sflag:$0x1] =	stream.linear.gather [hbm4b:s7+s1], $0x8000, $0x38;
	[tilespmem:$0x10080] =	vst v63  }
0x65: {  	v3 =	vld [tilespmem:s21+$0x30]  }
0x66: {  	v4 =	vld [tilespmem:s21+$0xFFFFFFD0]  }
0x67: {  	v5 =	vld [tilespmem:s21+$0xFFFFFFE0]  }
0x68: {  	v6 =	vld [tilespmem:s21+$0xFFFFFFF0]  }
0x69: {  	v7 =	vld [tilespmem:s21+$0x0]  }
0x6a: {  	v8 =	vld [tilespmem:s21+$0x10]  }
0x6b: {  	v9 =	vld [tilespmem:s21+$0x20]  }
0x6c: {  	s22 =	simm.s32 $0x80C0;
	v10 =	vld [tilespmem:s21+$0xFFFFFFC0]  }
0x6d: {  	v11 =	vld [tilespmem:s22+$0x30];
	v3 =	vmul.f32 v3, v2  }
0x6e: {  	v4 =	vmul.f32 v4, v2;
	v5 =	vmul.f32 v5, v2  }
0x6f: {  	v6 =	vmul.f32 v6, v2;
	v7 =	vmul.f32 v7, v2  }
0x70: {  	v8 =	vmul.f32 v8, v2;
	v9 =	vmul.f32 v9, v2;
	v3 =	vsub.f32 v3, v1  }
0x71: {  	v10 =	vmul.f32 v10, v2;
	v4 =	vsub.f32 v4, v1;
	v5 =	vsub.f32 v5, v1  }
0x72: {  	v11 =	vmul.f32 v11, v2;
	v6 =	vsub.f32 v6, v1;
	v7 =	vsub.f32 v7, v1  }
0x73: {  	v8 =	vsub.f32 v8, v1;
	v9 =	vsub.f32 v9, v1  }
0x74: {  	v10 =	vsub.f32 v10, v1;
	v11 =	vsub.f32 v11, v1  }
0x75: {  	v3 =	vadd.f32 $1.258291200e+07, v3;
	v4 =	vadd.f32 $1.258291200e+07, v4  }
0x76: {  	v5 =	vadd.f32 $1.258291200e+07, v5;
	v6 =	vadd.f32 $1.258291200e+07, v6  }
0x77: {  	v7 =	vadd.f32 $1.258291200e+07, v7;
	v8 =	vadd.f32 $1.258291200e+07, v8  }
0x78: {  	v10 =	vadd.f32 $1.258291200e+07, v10;
	v9 =	vadd.f32 $1.258291200e+07, v9  }
0x79: {  	v13 =	vld [tilespmem:s22+$0xFFFFFFE0];
	v11 =	vadd.f32 $1.258291200e+07, v11;
	v3 =	vadd.f32 $-1.258291200e+07, v3  }
0x7a: {  	v12 =	vld [tilespmem:s22+$0xFFFFFFD0];
	v4 =	vadd.f32 $-1.258291200e+07, v4;
	v5 =	vadd.f32 $-1.258291200e+07, v5  }
0x7b: {  	v10 =	vadd.f32 $-1.258291200e+07, v10;
	v6 =	vadd.f32 $-1.258291200e+07, v6  }
0x7c: {  	v14 =	vld [tilespmem:s22+$0xFFFFFFF0];
	v15 =	vadd.f32 $-1.258291200e+07, v7;
	v8 =	vadd.f32 $-1.258291200e+07, v8  }
0x7d: {  	v17 =	vld [tilespmem:s22+$0x0];
	v9 =	vadd.f32 $-1.258291200e+07, v9;
	v11 =	vadd.f32 $-1.258291200e+07, v11  }
0x7e: {  	v13 =	vmul.f32 v13, v2;
	v3 =	vadd.f32 v3, v1;
	v18 =	vadd.f32 v10, v1;
	v10 =	vld [tilespmem:s22+$0x10]  }
0x7f: {  	v19 =	vadd.f32 v4, v1;
	v7 =	vadd.f32 v5, v1;
	v4 =	vmul.f32 v12, v2;
	v12 =	vld [tilespmem:s22+$0x20]  }
0x80: {  	v6 =	vadd.f32 v6, v1;
	v16 =	vmul.f32 v3, v0;
	v3 =	vadd.f32 v15, v1;
	v15 =	vld [tilespmem:s22+$0xFFFFFFC0]  }
0x81: {  	v14 =	vmul.f32 v14, v2;
	v5 =	vadd.f32 v8, v1;
	v8 =	vsub.f32 v4, v1  }
0x82: {  	v4 =	vadd.f32 v9, v1;
	v9 =	vsub.f32 v13, v1;
	v13 =	vmul.f32 v17, v2  }
0x83: {  	v21 =	vadd.f32 v11, v1;
	v17 =	vsub.f32 v14, v1  }
0x84: {  	v8 =	vadd.f32 $1.258291200e+07, v8;
	v20 =	vsub.f32 v13, v1;
	v14 =	vmul.f32 v10, v2  }
0x85: {  	v12 =	vmul.f32 v12, v2;
	v10 =	vadd.f32 $1.258291200e+07, v9;
	v15 =	vmul.f32 v15, v2  }
0x86: {  	v18 =	vmul.f32 v18, v0;
	v11 =	vadd.f32 $1.258291200e+07, v20;
	v9 =	vsub.f32 v14, v1  }
0x87: {  	[tilespmem:s21+$0x30] =	vst v16;
	v16 =	vmul.f32 v19, v0;
	v13 =	vsub.f32 v12, v1;
	v14 =	vsub.f32 v15, v1  }
0x88: {  	s23 =	simm.s32 $0x8;
	s24 =	simm.s32 $0x8140;
	[tilespmem:s21+$0xFFFFFFC0] =	vst v18;
	v12 =	vadd.f32 $1.258291200e+07, v17;
	v9 =	vadd.f32 $1.258291200e+07, v9;
	v15 =	vmul.f32 v21, v0  }
.LBB2_4:
0x89: {  	v17 =	vld [tilespmem:s24+$0x30];
	s23 =	sadd.s32 $0x8, s23;
	v14 =	vadd.f32 $1.258291200e+07, v14;
	v13 =	vadd.f32 $1.258291200e+07, v13;
	[tilespmem:s21+$0xFFFFFFD0] =	vst v16;
	v7 =	vmul.f32 v7, v0  }
0x8a: {  	v8 =	vadd.f32 $-1.258291200e+07, v8;
	v10 =	vadd.f32 $-1.258291200e+07, v10;
	v6 =	vmul.f32 v6, v0;
	v16 =	vld [tilespmem:s24+$0xFFFFFFD0];
	p0 =	slt.u32 s23, $0x7F8;
	[tilespmem:s22+$0x30] =	vst v15  }
0x8b: {  	v12 =	vadd.f32 $-1.258291200e+07, v12;
	v3 =	vmul.f32 v3, v0;
	v15 =	vld [tilespmem:s24+$0xFFFFFFE0];
	v14 =	vadd.f32 $-1.258291200e+07, v14;
	[tilespmem:s21+$0xFFFFFFE0] =	vst v7  }
0x8c: {  	v5 =	vmul.f32 v5, v0;
	v11 =	vadd.f32 $-1.258291200e+07, v11;
	v9 =	vadd.f32 $-1.258291200e+07, v9;
	v18 =	vld [tilespmem:s24+$0xFFFFFFF0];
	[tilespmem:s21+$0xFFFFFFF0] =	vst v6  }
0x8d: {  	v4 =	vmul.f32 v4, v0;
	v13 =	vadd.f32 $-1.258291200e+07, v13;
	v19 =	vld [tilespmem:s24+$0x0];
	v14 =	vadd.f32 v14, v1;
	[tilespmem:s21+$0x0] =	vst v3  }
0x8e: {  	v21 =	vadd.f32 v8, v1;
	v7 =	vadd.f32 v10, v1;
	v20 =	vld [tilespmem:s24+$0x10];
	v17 =	vmul.f32 v17, v2;
	[tilespmem:s21+$0x10] =	vst v5  }
0x8f: {  	v6 =	vadd.f32 v12, v1;
	v3 =	vadd.f32 v11, v1;
	v8 =	vmul.f32 v16, v2;
	v10 =	vld [tilespmem:s24+$0x20];
	[tilespmem:s21+$0x20] =	vst v4;
	s21 =	smov.u32 s22;
	s22 =	smov.u32 s24  }
0x90: {  	v5 =	vadd.f32 v9, v1;
	v11 =	vld [tilespmem:s24+$0xFFFFFFC0];
	v12 =	vmul.f32 v15, v2;
	v15 =	vsub.f32 v17, v1  }
0x91: {  	v4 =	vadd.f32 v13, v1;
	v8 =	vsub.f32 v8, v1;
	v9 =	vmul.f32 v18, v2  }
0x92: {  	v12 =	vsub.f32 v12, v1;
	v13 =	vmul.f32 v19, v2;
	v15 =	vadd.f32 $1.258291200e+07, v15  }
0x93: {  	v8 =	vadd.f32 $1.258291200e+07, v8;
	v9 =	vsub.f32 v9, v1;
	v16 =	vmul.f32 v20, v2  }
.Ltmp1:
0x94: {  	v17 =	vsub.f32 v13, v1;
	v13 =	vmul.f32 v10, v2;
	v15 =	vadd.f32 $-1.258291200e+07, v15;
	(pc) =	sbr.rel @p0 .LBB2_4-.Ltmp1, $4  }
0x95: {  	v10 =	vadd.f32 $1.258291200e+07, v12;
	v11 =	vmul.f32 v11, v2;
	v18 =	vsub.f32 v16, v1  }
0x96: {  	v19 =	vmul.f32 v14, v0;
	v13 =	vsub.f32 v13, v1;
	v15 =	vadd.f32 v15, v1  }
0x97: {  	v12 =	vadd.f32 $1.258291200e+07, v9;
	v16 =	vmul.f32 v21, v0;
	v14 =	vsub.f32 v11, v1  }
0x98: {  	s24 =	sadd.s32 $0x80, s24;
	v11 =	vadd.f32 $1.258291200e+07, v17;
	v9 =	vadd.f32 $1.258291200e+07, v18;
	v15 =	vmul.f32 v15, v0;
	[tilespmem:s21+$0xFFFFFFC0] =	vst v19  }
0x99: {  	v14 =	vadd.f32 $1.258291200e+07, v14;
	v7 =	vmul.f32 v7, v0  }
0x9a: {  	[tilespmem:s21+$0xFFFFFFD0] =	vst v16;
	v6 =	vmul.f32 v6, v0;
	v13 =	vadd.f32 $1.258291200e+07, v13  }
0x9b: {  	v8 =	vadd.f32 $-1.258291200e+07, v8;
	v3 =	vmul.f32 v3, v0;
	v14 =	vadd.f32 $-1.258291200e+07, v14;
	[tilespmem:s21+$0xFFFFFFE0] =	vst v7  }
0x9c: {  	v5 =	vmul.f32 v5, v0;
	v7 =	vadd.f32 $-1.258291200e+07, v10;
	[tilespmem:s21+$0xFFFFFFF0] =	vst v6;
	v10 =	vadd.f32 $-1.258291200e+07, v12  }
0x9d: {  	[tilespmem:s21+$0x0] =	vst v3;
	v3 =	vmul.f32 v4, v0;
	v4 =	vadd.f32 v8, v1;
	v6 =	vadd.f32 v14, v1  }
0x9e: {  	v8 =	vadd.f32 $-1.258291200e+07, v11;
	[tilespmem:s21+$0x10] =	vst v5;
	v7 =	vadd.f32 v7, v1  }
0x9f: {  	[tilespmem:s21+$0x20] =	vst v3;
	v3 =	vmul.f32 v4, v0;
	v4 =	vadd.f32 $-1.258291200e+07, v13;
	v5 =	vmul.f32 v6, v0  }
0xa0: {  	[tilespmem:s22+$0x30] =	vst v15;
	v6 =	vadd.f32 $-1.258291200e+07, v9;
	v9 =	vadd.f32 v10, v1  }
0xa1: {  	v4 =	vadd.f32 v4, v1;
	[tilespmem:s22+$0xFFFFFFC0] =	vst v5;
	v5 =	vmul.f32 v7, v0  }
0xa2: {  	v8 =	vadd.f32 v8, v1;
	[tilespmem:s22+$0xFFFFFFD0] =	vst v3;
	v3 =	vmul.f32 v9, v0  }
0xa3: {  	v6 =	vadd.f32 v6, v1;
	v4 =	vmul.f32 v4, v0;
	[tilespmem:s22+$0xFFFFFFE0] =	vst v5  }
0xa4: {  	v5 =	vmul.f32 v8, v0;
	[tilespmem:s22+$0xFFFFFFF0] =	vst v3  }
0xa5: {  	v3 =	vmul.f32 v6, v0;
	[tilespmem:s22+$0x20] =	vst v4  }
0xa6: {  	[tilespmem:s22+$0x0] =	vst v5  }
0xa7: {  	[tilespmem:s22+$0x10] =	vst v3  }
0xa8: {  	[hbm4b:s8+s1] =	stream.linear.scatter [tilespmem:s16], [sflag:$0x4], $0x8000, $0x38;
	[tilespmem:$0x10080] =	vst v63  }
0xa9: {  	_ =	swait.ge [sflag:s15], $0x8000  }
0xaa: {  	[sflag:s15] =	ssyncset.done $0x0  }
0xab: {  	[sflag:s15] =	ssyncadd.s32 $0xFFFF8000  }
0xac: {  	_ =	swait.ge [sflag:s19], $0x8000  }
0xad: {  	[sflag:s19] =	ssyncset.done $0x0  }
0xae: {  	s21 =	simm.s32 $0x40;
	[sflag:s19] =	ssyncadd.s32 $0xFFFF8000  }
0xaf: {  	[tilespmem:s16], [sflag:$0x2] =	stream.linear.gather [hbm4b:s9+s1], $0x8000, $0x38;
	[tilespmem:$0x10080] =	vst v63  }
0xb0: {  	v3 =	vld [tilespmem:s21+$0x30]  }
0xb1: {  	v4 =	vld [tilespmem:s21+$0xFFFFFFD0]  }
0xb2: {  	v5 =	vld [tilespmem:s21+$0xFFFFFFE0]  }
0xb3: {  	v6 =	vld [tilespmem:s21+$0xFFFFFFF0]  }
0xb4: {  	v7 =	vld [tilespmem:s21+$0x0]  }
0xb5: {  	v8 =	vld [tilespmem:s21+$0x10]  }
0xb6: {  	v9 =	vld [tilespmem:s21+$0x20]  }
0xb7: {  	s22 =	simm.s32 $0xC0;
	v10 =	vld [tilespmem:s21+$0xFFFFFFC0]  }
0xb8: {  	v11 =	vld [tilespmem:s22+$0x30];
	v3 =	vmul.f32 v3, v2  }
0xb9: {  	v4 =	vmul.f32 v4, v2;
	v5 =	vmul.f32 v5, v2  }
0xba: {  	v6 =	vmul.f32 v6, v2;
	v7 =	vmul.f32 v7, v2  }
0xbb: {  	v8 =	vmul.f32 v8, v2;
	v9 =	vmul.f32 v9, v2;
	v3 =	vsub.f32 v3, v1  }
0xbc: {  	v10 =	vmul.f32 v10, v2;
	v4 =	vsub.f32 v4, v1;
	v5 =	vsub.f32 v5, v1  }
0xbd: {  	v11 =	vmul.f32 v11, v2;
	v6 =	vsub.f32 v6, v1;
	v7 =	vsub.f32 v7, v1  }
0xbe: {  	v8 =	vsub.f32 v8, v1;
	v9 =	vsub.f32 v9, v1  }
0xbf: {  	v10 =	vsub.f32 v10, v1;
	v11 =	vsub.f32 v11, v1  }
0xc0: {  	v3 =	vadd.f32 $1.258291200e+07, v3;
	v4 =	vadd.f32 $1.258291200e+07, v4  }
0xc1: {  	v5 =	vadd.f32 $1.258291200e+07, v5;
	v6 =	vadd.f32 $1.258291200e+07, v6  }
0xc2: {  	v7 =	vadd.f32 $1.258291200e+07, v7;
	v8 =	vadd.f32 $1.258291200e+07, v8  }
0xc3: {  	v10 =	vadd.f32 $1.258291200e+07, v10;
	v9 =	vadd.f32 $1.258291200e+07, v9  }
0xc4: {  	v13 =	vld [tilespmem:s22+$0xFFFFFFE0];
	v11 =	vadd.f32 $1.258291200e+07, v11;
	v3 =	vadd.f32 $-1.258291200e+07, v3  }
0xc5: {  	v12 =	vld [tilespmem:s22+$0xFFFFFFD0];
	v4 =	vadd.f32 $-1.258291200e+07, v4;
	v5 =	vadd.f32 $-1.258291200e+07, v5  }
0xc6: {  	v10 =	vadd.f32 $-1.258291200e+07, v10;
	v6 =	vadd.f32 $-1.258291200e+07, v6  }
0xc7: {  	v14 =	vld [tilespmem:s22+$0xFFFFFFF0];
	v15 =	vadd.f32 $-1.258291200e+07, v7;
	v8 =	vadd.f32 $-1.258291200e+07, v8  }
0xc8: {  	v17 =	vld [tilespmem:s22+$0x0];
	v9 =	vadd.f32 $-1.258291200e+07, v9;
	v11 =	vadd.f32 $-1.258291200e+07, v11  }
0xc9: {  	v13 =	vmul.f32 v13, v2;
	v3 =	vadd.f32 v3, v1;
	v18 =	vadd.f32 v10, v1;
	v10 =	vld [tilespmem:s22+$0x10]  }
0xca: {  	v19 =	vadd.f32 v4, v1;
	v7 =	vadd.f32 v5, v1;
	v4 =	vmul.f32 v12, v2;
	v12 =	vld [tilespmem:s22+$0x20]  }
0xcb: {  	v6 =	vadd.f32 v6, v1;
	v16 =	vmul.f32 v3, v0;
	v3 =	vadd.f32 v15, v1;
	v15 =	vld [tilespmem:s22+$0xFFFFFFC0]  }
0xcc: {  	v14 =	vmul.f32 v14, v2;
	v5 =	vadd.f32 v8, v1;
	v8 =	vsub.f32 v4, v1  }
0xcd: {  	v4 =	vadd.f32 v9, v1;
	v9 =	vsub.f32 v13, v1;
	v13 =	vmul.f32 v17, v2  }
0xce: {  	v21 =	vadd.f32 v11, v1;
	v17 =	vsub.f32 v14, v1  }
0xcf: {  	v8 =	vadd.f32 $1.258291200e+07, v8;
	v20 =	vsub.f32 v13, v1;
	v14 =	vmul.f32 v10, v2  }
0xd0: {  	v12 =	vmul.f32 v12, v2;
	v10 =	vadd.f32 $1.258291200e+07, v9;
	v15 =	vmul.f32 v15, v2  }
0xd1: {  	v18 =	vmul.f32 v18, v0;
	v11 =	vadd.f32 $1.258291200e+07, v20;
	v9 =	vsub.f32 v14, v1  }
0xd2: {  	[tilespmem:s21+$0x30] =	vst v16;
	v16 =	vmul.f32 v19, v0;
	v13 =	vsub.f32 v12, v1;
	v14 =	vsub.f32 v15, v1  }
0xd3: {  	s23 =	simm.s32 $0x8;
	s24 =	simm.s32 $0x140;
	[tilespmem:s21+$0xFFFFFFC0] =	vst v18;
	v12 =	vadd.f32 $1.258291200e+07, v17;
	v9 =	vadd.f32 $1.258291200e+07, v9;
	v15 =	vmul.f32 v21, v0  }
.LBB2_6:
0xd4: {  	v17 =	vld [tilespmem:s24+$0x30];
	s23 =	sadd.s32 $0x8, s23;
	v14 =	vadd.f32 $1.258291200e+07, v14;
	v13 =	vadd.f32 $1.258291200e+07, v13;
	[tilespmem:s21+$0xFFFFFFD0] =	vst v16;
	v7 =	vmul.f32 v7, v0  }
0xd5: {  	v8 =	vadd.f32 $-1.258291200e+07, v8;
	v10 =	vadd.f32 $-1.258291200e+07, v10;
	v6 =	vmul.f32 v6, v0;
	v16 =	vld [tilespmem:s24+$0xFFFFFFD0];
	p0 =	slt.u32 s23, $0x7F8;
	[tilespmem:s22+$0x30] =	vst v15  }
0xd6: {  	v12 =	vadd.f32 $-1.258291200e+07, v12;
	v3 =	vmul.f32 v3, v0;
	v15 =	vld [tilespmem:s24+$0xFFFFFFE0];
	v14 =	vadd.f32 $-1.258291200e+07, v14;
	[tilespmem:s21+$0xFFFFFFE0] =	vst v7  }
0xd7: {  	v5 =	vmul.f32 v5, v0;
	v11 =	vadd.f32 $-1.258291200e+07, v11;
	v9 =	vadd.f32 $-1.258291200e+07, v9;
	v18 =	vld [tilespmem:s24+$0xFFFFFFF0];
	[tilespmem:s21+$0xFFFFFFF0] =	vst v6  }
0xd8: {  	v4 =	vmul.f32 v4, v0;
	v13 =	vadd.f32 $-1.258291200e+07, v13;
	v19 =	vld [tilespmem:s24+$0x0];
	v14 =	vadd.f32 v14, v1;
	[tilespmem:s21+$0x0] =	vst v3  }
0xd9: {  	v21 =	vadd.f32 v8, v1;
	v7 =	vadd.f32 v10, v1;
	v20 =	vld [tilespmem:s24+$0x10];
	v17 =	vmul.f32 v17, v2;
	[tilespmem:s21+$0x10] =	vst v5  }
0xda: {  	v6 =	vadd.f32 v12, v1;
	v3 =	vadd.f32 v11, v1;
	v8 =	vmul.f32 v16, v2;
	v10 =	vld [tilespmem:s24+$0x20];
	[tilespmem:s21+$0x20] =	vst v4;
	s21 =	smov.u32 s22;
	s22 =	smov.u32 s24  }
0xdb: {  	v5 =	vadd.f32 v9, v1;
	v11 =	vld [tilespmem:s24+$0xFFFFFFC0];
	v12 =	vmul.f32 v15, v2;
	v15 =	vsub.f32 v17, v1  }
0xdc: {  	v4 =	vadd.f32 v13, v1;
	v8 =	vsub.f32 v8, v1;
	v9 =	vmul.f32 v18, v2  }
0xdd: {  	v12 =	vsub.f32 v12, v1;
	v13 =	vmul.f32 v19, v2;
	v15 =	vadd.f32 $1.258291200e+07, v15  }
0xde: {  	v8 =	vadd.f32 $1.258291200e+07, v8;
	v9 =	vsub.f32 v9, v1;
	v16 =	vmul.f32 v20, v2  }
.Ltmp2:
0xdf: {  	v17 =	vsub.f32 v13, v1;
	v13 =	vmul.f32 v10, v2;
	v15 =	vadd.f32 $-1.258291200e+07, v15;
	(pc) =	sbr.rel @p0 .LBB2_6-.Ltmp2, $4  }
0xe0: {  	v10 =	vadd.f32 $1.258291200e+07, v12;
	v11 =	vmul.f32 v11, v2;
	v18 =	vsub.f32 v16, v1  }
0xe1: {  	v19 =	vmul.f32 v14, v0;
	v13 =	vsub.f32 v13, v1;
	v15 =	vadd.f32 v15, v1  }
0xe2: {  	v12 =	vadd.f32 $1.258291200e+07, v9;
	v16 =	vmul.f32 v21, v0;
	v14 =	vsub.f32 v11, v1  }
0xe3: {  	s24 =	sadd.s32 $0x80, s24;
	v11 =	vadd.f32 $1.258291200e+07, v17;
	v9 =	vadd.f32 $1.258291200e+07, v18;
	v15 =	vmul.f32 v15, v0;
	[tilespmem:s21+$0xFFFFFFC0] =	vst v19  }
0xe4: {  	v14 =	vadd.f32 $1.258291200e+07, v14;
	v7 =	vmul.f32 v7, v0  }
0xe5: {  	[tilespmem:s21+$0xFFFFFFD0] =	vst v16;
	v6 =	vmul.f32 v6, v0;
	v13 =	vadd.f32 $1.258291200e+07, v13  }
0xe6: {  	v8 =	vadd.f32 $-1.258291200e+07, v8;
	v3 =	vmul.f32 v3, v0;
	v14 =	vadd.f32 $-1.258291200e+07, v14;
	[tilespmem:s21+$0xFFFFFFE0] =	vst v7  }
0xe7: {  	v5 =	vmul.f32 v5, v0;
	v7 =	vadd.f32 $-1.258291200e+07, v10;
	[tilespmem:s21+$0xFFFFFFF0] =	vst v6;
	v10 =	vadd.f32 $-1.258291200e+07, v12  }
0xe8: {  	[tilespmem:s21+$0x0] =	vst v3;
	v3 =	vmul.f32 v4, v0;
	v4 =	vadd.f32 v8, v1;
	v6 =	vadd.f32 v14, v1  }
0xe9: {  	v8 =	vadd.f32 $-1.258291200e+07, v11;
	[tilespmem:s21+$0x10] =	vst v5;
	v7 =	vadd.f32 v7, v1  }
0xea: {  	[tilespmem:s21+$0x20] =	vst v3;
	v3 =	vmul.f32 v4, v0;
	v4 =	vadd.f32 $-1.258291200e+07, v13;
	v5 =	vmul.f32 v6, v0  }
0xeb: {  	[tilespmem:s22+$0x30] =	vst v15;
	v6 =	vadd.f32 $-1.258291200e+07, v9;
	v9 =	vadd.f32 v10, v1  }
0xec: {  	v4 =	vadd.f32 v4, v1;
	[tilespmem:s22+$0xFFFFFFC0] =	vst v5;
	v5 =	vmul.f32 v7, v0  }
0xed: {  	v8 =	vadd.f32 v8, v1;
	[tilespmem:s22+$0xFFFFFFD0] =	vst v3;
	v3 =	vmul.f32 v9, v0  }
0xee: {  	v6 =	vadd.f32 v6, v1;
	v4 =	vmul.f32 v4, v0;
	[tilespmem:s22+$0xFFFFFFE0] =	vst v5  }
0xef: {  	v5 =	vmul.f32 v8, v0;
	[tilespmem:s22+$0xFFFFFFF0] =	vst v3  }
0xf0: {  	v3 =	vmul.f32 v6, v0;
	[tilespmem:s22+$0x20] =	vst v4  }
0xf1: {  	[tilespmem:s22+$0x0] =	vst v5  }
0xf2: {  	[tilespmem:s22+$0x10] =	vst v3  }
0xf3: {  	[hbm4b:s10+s1] =	stream.linear.scatter [tilespmem:s1], [sflag:$0x3], $0x8000, $0x38;
	[tilespmem:$0x10080] =	vst v63  }
0xf4: {  	_ =	swait.ge [sflag:s17], $0x8000  }
0xf5: {  	[sflag:s17] =	ssyncset.done $0x0  }
0xf6: {  	s21 =	simm.s32 $0x8040;
	[sflag:s17] =	ssyncadd.s32 $0xFFFF8000  }
0xf7: {  	v3 =	vld [tilespmem:s21+$0x30]  }
0xf8: {  	v4 =	vld [tilespmem:s21+$0xFFFFFFD0]  }
0xf9: {  	v5 =	vld [tilespmem:s21+$0xFFFFFFE0]  }
0xfa: {  	v6 =	vld [tilespmem:s21+$0xFFFFFFF0]  }
0xfb: {  	v7 =	vld [tilespmem:s21+$0x0]  }
0xfc: {  	v8 =	vld [tilespmem:s21+$0x10]  }
0xfd: {  	v9 =	vld [tilespmem:s21+$0x20]  }
0xfe: {  	s22 =	simm.s32 $0x80C0;
	v10 =	vld [tilespmem:s21+$0xFFFFFFC0]  }
0xff: {  	v11 =	vld [tilespmem:s22+$0x30];
	v3 =	vmul.f32 v3, v2  }
0x100: {  	v4 =	vmul.f32 v4, v2;
	v5 =	vmul.f32 v5, v2  }
0x101: {  	v6 =	vmul.f32 v6, v2;
	v7 =	vmul.f32 v7, v2  }
0x102: {  	v8 =	vmul.f32 v8, v2;
	v9 =	vmul.f32 v9, v2;
	v3 =	vsub.f32 v3, v1  }
0x103: {  	v10 =	vmul.f32 v10, v2;
	v4 =	vsub.f32 v4, v1;
	v5 =	vsub.f32 v5, v1  }
0x104: {  	v11 =	vmul.f32 v11, v2;
	v6 =	vsub.f32 v6, v1;
	v7 =	vsub.f32 v7, v1  }
0x105: {  	v8 =	vsub.f32 v8, v1;
	v9 =	vsub.f32 v9, v1  }
0x106: {  	v10 =	vsub.f32 v10, v1;
	v11 =	vsub.f32 v11, v1  }
0x107: {  	v3 =	vadd.f32 $1.258291200e+07, v3;
	v4 =	vadd.f32 $1.258291200e+07, v4  }
0x108: {  	v5 =	vadd.f32 $1.258291200e+07, v5;
	v6 =	vadd.f32 $1.258291200e+07, v6  }
0x109: {  	v7 =	vadd.f32 $1.258291200e+07, v7;
	v8 =	vadd.f32 $1.258291200e+07, v8  }
0x10a: {  	v10 =	vadd.f32 $1.258291200e+07, v10;
	v9 =	vadd.f32 $1.258291200e+07, v9  }
0x10b: {  	v13 =	vld [tilespmem:s22+$0xFFFFFFE0];
	v11 =	vadd.f32 $1.258291200e+07, v11;
	v3 =	vadd.f32 $-1.258291200e+07, v3  }
0x10c: {  	v12 =	vld [tilespmem:s22+$0xFFFFFFD0];
	v4 =	vadd.f32 $-1.258291200e+07, v4;
	v5 =	vadd.f32 $-1.258291200e+07, v5  }
0x10d: {  	v10 =	vadd.f32 $-1.258291200e+07, v10;
	v6 =	vadd.f32 $-1.258291200e+07, v6  }
0x10e: {  	v14 =	vld [tilespmem:s22+$0xFFFFFFF0];
	v15 =	vadd.f32 $-1.258291200e+07, v7;
	v8 =	vadd.f32 $-1.258291200e+07, v8  }
0x10f: {  	v17 =	vld [tilespmem:s22+$0x0];
	v9 =	vadd.f32 $-1.258291200e+07, v9;
	v11 =	vadd.f32 $-1.258291200e+07, v11  }
0x110: {  	v13 =	vmul.f32 v13, v2;
	v3 =	vadd.f32 v3, v1;
	v18 =	vadd.f32 v10, v1;
	v10 =	vld [tilespmem:s22+$0x10]  }
0x111: {  	v19 =	vadd.f32 v4, v1;
	v7 =	vadd.f32 v5, v1;
	v4 =	vmul.f32 v12, v2;
	v12 =	vld [tilespmem:s22+$0x20]  }
0x112: {  	v6 =	vadd.f32 v6, v1;
	v16 =	vmul.f32 v3, v0;
	v3 =	vadd.f32 v15, v1;
	v15 =	vld [tilespmem:s22+$0xFFFFFFC0]  }
0x113: {  	v14 =	vmul.f32 v14, v2;
	v5 =	vadd.f32 v8, v1;
	v8 =	vsub.f32 v4, v1  }
0x114: {  	v4 =	vadd.f32 v9, v1;
	v9 =	vsub.f32 v13, v1;
	v13 =	vmul.f32 v17, v2  }
0x115: {  	v21 =	vadd.f32 v11, v1;
	v17 =	vsub.f32 v14, v1  }
0x116: {  	v8 =	vadd.f32 $1.258291200e+07, v8;
	v20 =	vsub.f32 v13, v1;
	v14 =	vmul.f32 v10, v2  }
0x117: {  	v12 =	vmul.f32 v12, v2;
	v10 =	vadd.f32 $1.258291200e+07, v9;
	v15 =	vmul.f32 v15, v2  }
0x118: {  	v18 =	vmul.f32 v18, v0;
	v11 =	vadd.f32 $1.258291200e+07, v20;
	v9 =	vsub.f32 v14, v1  }
0x119: {  	[tilespmem:s21+$0x30] =	vst v16;
	v16 =	vmul.f32 v19, v0;
	v13 =	vsub.f32 v12, v1;
	v14 =	vsub.f32 v15, v1  }
0x11a: {  	s23 =	simm.s32 $0x8;
	s24 =	simm.s32 $0x8140;
	[tilespmem:s21+$0xFFFFFFC0] =	vst v18;
	v12 =	vadd.f32 $1.258291200e+07, v17;
	v9 =	vadd.f32 $1.258291200e+07, v9;
	v15 =	vmul.f32 v21, v0  }
.LBB2_8:
0x11b: {  	v17 =	vld [tilespmem:s24+$0x30];
	s23 =	sadd.s32 $0x8, s23;
	v14 =	vadd.f32 $1.258291200e+07, v14;
	v13 =	vadd.f32 $1.258291200e+07, v13;
	[tilespmem:s21+$0xFFFFFFD0] =	vst v16;
	v7 =	vmul.f32 v7, v0  }
0x11c: {  	v8 =	vadd.f32 $-1.258291200e+07, v8;
	v10 =	vadd.f32 $-1.258291200e+07, v10;
	v6 =	vmul.f32 v6, v0;
	v16 =	vld [tilespmem:s24+$0xFFFFFFD0];
	p0 =	slt.u32 s23, $0x7F8;
	[tilespmem:s22+$0x30] =	vst v15  }
0x11d: {  	v12 =	vadd.f32 $-1.258291200e+07, v12;
	v3 =	vmul.f32 v3, v0;
	v15 =	vld [tilespmem:s24+$0xFFFFFFE0];
	v14 =	vadd.f32 $-1.258291200e+07, v14;
	[tilespmem:s21+$0xFFFFFFE0] =	vst v7  }
0x11e: {  	v5 =	vmul.f32 v5, v0;
	v11 =	vadd.f32 $-1.258291200e+07, v11;
	v9 =	vadd.f32 $-1.258291200e+07, v9;
	v18 =	vld [tilespmem:s24+$0xFFFFFFF0];
	[tilespmem:s21+$0xFFFFFFF0] =	vst v6  }
0x11f: {  	v4 =	vmul.f32 v4, v0;
	v13 =	vadd.f32 $-1.258291200e+07, v13;
	v19 =	vld [tilespmem:s24+$0x0];
	v14 =	vadd.f32 v14, v1;
	[tilespmem:s21+$0x0] =	vst v3  }
0x120: {  	v21 =	vadd.f32 v8, v1;
	v7 =	vadd.f32 v10, v1;
	v20 =	vld [tilespmem:s24+$0x10];
	v17 =	vmul.f32 v17, v2;
	[tilespmem:s21+$0x10] =	vst v5  }
0x121: {  	v6 =	vadd.f32 v12, v1;
	v3 =	vadd.f32 v11, v1;
	v8 =	vmul.f32 v16, v2;
	v10 =	vld [tilespmem:s24+$0x20];
	[tilespmem:s21+$0x20] =	vst v4;
	s21 =	smov.u32 s22;
	s22 =	smov.u32 s24  }
0x122: {  	v5 =	vadd.f32 v9, v1;
	v11 =	vld [tilespmem:s24+$0xFFFFFFC0];
	v12 =	vmul.f32 v15, v2;
	v15 =	vsub.f32 v17, v1  }
0x123: {  	v4 =	vadd.f32 v13, v1;
	v8 =	vsub.f32 v8, v1;
	v9 =	vmul.f32 v18, v2  }
0x124: {  	v12 =	vsub.f32 v12, v1;
	v13 =	vmul.f32 v19, v2;
	v15 =	vadd.f32 $1.258291200e+07, v15  }
0x125: {  	v8 =	vadd.f32 $1.258291200e+07, v8;
	v9 =	vsub.f32 v9, v1;
	v16 =	vmul.f32 v20, v2  }
.Ltmp3:
0x126: {  	v17 =	vsub.f32 v13, v1;
	v13 =	vmul.f32 v10, v2;
	v15 =	vadd.f32 $-1.258291200e+07, v15;
	(pc) =	sbr.rel @p0 .LBB2_8-.Ltmp3, $4  }
0x127: {  	v10 =	vadd.f32 $1.258291200e+07, v12;
	v11 =	vmul.f32 v11, v2;
	v18 =	vsub.f32 v16, v1  }
0x128: {  	v19 =	vmul.f32 v14, v0;
	v13 =	vsub.f32 v13, v1;
	v15 =	vadd.f32 v15, v1  }
0x129: {  	v12 =	vadd.f32 $1.258291200e+07, v9;
	v16 =	vmul.f32 v21, v0;
	v14 =	vsub.f32 v11, v1  }
0x12a: {  	s24 =	sadd.s32 $0x80, s24;
	v11 =	vadd.f32 $1.258291200e+07, v17;
	v9 =	vadd.f32 $1.258291200e+07, v18;
	v15 =	vmul.f32 v15, v0;
	[tilespmem:s21+$0xFFFFFFC0] =	vst v19  }
0x12b: {  	[tilespmem:s21+$0xFFFFFFD0] =	vst v16;
	v7 =	vmul.f32 v7, v0  }
0x12c: {  	v2 =	vadd.f32 $1.258291200e+07, v14;
	v6 =	vmul.f32 v6, v0;
	v8 =	vadd.f32 $-1.258291200e+07, v8;
	[tilespmem:s22+$0x30] =	vst v15  }
0x12d: {  	v13 =	vadd.f32 $1.258291200e+07, v13;
	v3 =	vmul.f32 v3, v0;
	v50 =	vadd.f32 $-1.258291200e+07, v10;
	[tilespmem:s21+$0xFFFFFFE0] =	vst v7  }
0x12e: {  	v5 =	vmul.f32 v5, v0;
	v51 =	vadd.f32 $-1.258291200e+07, v12;
	[tilespmem:s21+$0xFFFFFFF0] =	vst v6;
	v53 =	vadd.f32 v8, v1  }
0x12f: {  	v52 =	vmul.f32 v4, v0;
	v54 =	vadd.f32 $-1.258291200e+07, v11;
	[tilespmem:s21+$0x0] =	vst v3;
	v7 =	vadd.f32 v50, v1  }
0x130: {  	v55 =	vadd.f32 $-1.258291200e+07, v9;
	[tilespmem:s21+$0x10] =	vst v5;
	v6 =	vadd.f32 v51, v1;
	v56 =	vmul.f32 v53, v0  }
0x131: {  	v2 =	vadd.f32 $-1.258291200e+07, v2;
	[tilespmem:s21+$0x20] =	vst v52;
	v8 =	vadd.f32 v54, v1;
	v58 =	vmul.f32 v7, v0  }
0x132: {  	v57 =	vadd.f32 $-1.258291200e+07, v13;
	v5 =	vadd.f32 v55, v1;
	v59 =	vmul.f32 v6, v0;
	[tilespmem:s22+$0xFFFFFFD0] =	vst v56  }
0x133: {  	v2 =	vadd.f32 v2, v1;
	v61 =	vmul.f32 v8, v0;
	[tilespmem:s22+$0xFFFFFFE0] =	vst v58  }
0x134: {  	v60 =	vadd.f32 v57, v1;
	v62 =	vmul.f32 v5, v0;
	[tilespmem:s22+$0xFFFFFFF0] =	vst v59  }
0x135: {  	v2 =	vmul.f32 v2, v0;
	[tilespmem:s22+$0x0] =	vst v61  }
0x136: {  	v63 =	vmul.f32 v60, v0;
	[tilespmem:s22+$0x10] =	vst v62  }
0x137: {  	[tilespmem:s22+$0xFFFFFFC0] =	vst v2  }
0x138: {  	s20 =	sadd.s32 $0x1, s20;
	[tilespmem:s22+$0x20] =	vst v63  }
0x139: {  	[hbm4b:s11+s1] =	stream.linear.scatter [tilespmem:s16], [sflag:$0x4], $0x8000, $0x38;
	[tilespmem:$0x10080] =	vst v63  }
0x13a: {  	p0 =	sne.s32 s20, s12;
	_ =	swait.ge [sflag:s18], $0x8000  }
.Ltmp4:
0x13b: {  	[sflag:s18] =	ssyncset.done $0x0;
	(pc) =	sbr.rel @p0 .LBB2_1-.Ltmp4, $4  }
0x13c: {  	[sflag:s18] =	ssyncadd.s32 $0xFFFF8000  }
0x13d: {  	_ =	swait.ge [sflag:s19], $0x8000  }
0x13e: {  	[sflag:s19] =	ssyncset.done $0x0  }
0x13f: {  	[sflag:s19] =	ssyncadd.s32 $0xFFFF8000  }
0x140: {  	_ =	sfence.sel $0x180000  }
0x141: {  	[bflag:$0x0] =	sbarrier.arrive $0xFFFF  }
0x142: {  	p0 =	sne.s32 s2, $0x0;
	_ =	strace $0x9000004A  }
0x143: {  	s0 =	sadd.s32 @!p0 $0x100000, s0;
	[bflag:$0x2] =	sbarrier.arrive $0xFFFF  }
0x144: {  	[sflag:s0] =	ssyncadd.tile.s32 @!p0 $0x1;
	_ =	shalt  }
.Lfunc_end2:
_tile_overlayer_lowered:
.L_overlay_start_2:
0x145: {  	(tag) =	ssettag $0x2  }
0x146: {  	s0 =	rddreg [dreg:$0x0];
	s2 =	stileid.u32  }
0x147: {  	s1 =	rddreg [dreg:$0x1];
	p0 =	sne.s32 s2, $0x0  }
0x148: {  	s3 =	rddreg [dreg:$0x2];
	[bflag:$0x3] =	sbarrier.arrive $0xFFFF;
	s2 =	simm.s32 @!p0 $0x1C05  }
0x149: {  	[timem:s3], [sflag:s2] =	dma.local @!p0 [hbm:s0], s1  }
0x14a: {  	s0 =	simm.s32 @!p0 $0x5  }
0x14b: {  	_ =	swait.ge @!p0 [sflag:s0], s1  }
0x14c: {  	s1 =	ssub.s32 @!p0 $0x0, s1;
	[sflag:s0] =	ssyncset.done @!p0 $0x0  }
0x14d: {  	[sflag:s0] =	ssyncadd.s32 @!p0 s1  }
0x14e: {  	[bflag:$0x3] =	sbarrier.arrive $0xFFFF  }
0x14f: {  	_ =	shalt  }

</sc_bundles>
